<compile_context>
chip_gen: v7x
topology: tpu7x:2x2x1
jax: 0.10.2.dev20260603
libtpu: 0.0.44.dev20260713+nightly
codegen_flags: <defaults>
</compile_context>

<pallas_src>
import jax
import jax.numpy as jnp
from jax import lax
from jax.experimental import pallas as pl
from jax.experimental.pallas import tpu as pltpu
from jax.experimental.pallas import tpu_sc as plsc

BATCH = 4
SEQ = 8192
D = 64
B = BATCH * SEQ
NC = 2
NS = 16
NW = NC * NS
B_PER_W = B // NW
CHUNK = 128
NCHUNK = B_PER_W // CHUNK
IDX_ROWS = B // CHUNK


NBUF = 2


def _rope_gather(idx_hbm, cos_hbm, sin_hbm, cos_out, sin_out,
                 idx_v, cos_v, sin_v, gsem0, gsem1, wsem0, wsem1):
    gsem = (gsem0, gsem1)
    wsem = (wsem0, wsem1)
    c = lax.axis_index("c")
    s = lax.axis_index("s")
    wid = s * NC + c
    row0 = wid * NCHUNK
    pltpu.sync_copy(idx_hbm.at[pl.ds(row0, NCHUNK)], idx_v)
    gathers = [None] * NCHUNK
    writes = [None] * NCHUNK
    for j in range(NCHUNK):
        b = j % NBUF
        if j >= NBUF:
            writes[j - NBUF][0].wait()
            writes[j - NBUF][1].wait()
        gathers[j] = (
            pltpu.async_copy(cos_hbm.at[idx_v.at[j]], cos_v.at[b], gsem[b]),
            pltpu.async_copy(sin_hbm.at[idx_v.at[j]], sin_v.at[b], gsem[b]),
        )
        if j >= 1:
            pb = (j - 1) % NBUF
            gathers[j - 1][0].wait()
            gathers[j - 1][1].wait()
            base = (row0 + j - 1) * CHUNK
            writes[j - 1] = (
                pltpu.async_copy(cos_v.at[pb], cos_out.at[pl.ds(base, CHUNK)],
                                 wsem[pb]),
                pltpu.async_copy(sin_v.at[pb], sin_out.at[pl.ds(base, CHUNK)],
                                 wsem[pb]),
            )
    j = NCHUNK - 1
    b = j % NBUF
    gathers[j][0].wait()
    gathers[j][1].wait()
    base = (row0 + j) * CHUNK
    writes[j] = (
        pltpu.async_copy(cos_v.at[b], cos_out.at[pl.ds(base, CHUNK)], wsem[b]),
        pltpu.async_copy(sin_v.at[b], sin_out.at[pl.ds(base, CHUNK)], wsem[b]),
    )
    for j in (NCHUNK - 2, NCHUNK - 1):
        writes[j][0].wait()
        writes[j][1].wait()


def kernel(position_ids, cos_cache, sin_cache):
    idx2d = position_ids.reshape(IDX_ROWS, CHUNK)
    mesh = plsc.VectorSubcoreMesh(core_axis_name="c", subcore_axis_name="s")
    run = pl.kernel(
        _rope_gather,
        out_type=(
            jax.ShapeDtypeStruct((B, D), jnp.float32),
            jax.ShapeDtypeStruct((B, D), jnp.float32),
        ),
        mesh=mesh,
        scratch_types=[
            pltpu.VMEM((NCHUNK, CHUNK), jnp.int32),
            pltpu.VMEM((NBUF, CHUNK, D), jnp.float32),
            pltpu.VMEM((NBUF, CHUNK, D), jnp.float32),
            pltpu.SemaphoreType.DMA,
            pltpu.SemaphoreType.DMA,
            pltpu.SemaphoreType.DMA,
            pltpu.SemaphoreType.DMA,
        ],
        compiler_params=pltpu.CompilerParams(use_tc_tiling_on_sc=False),
    )
    cos, sin = run(idx2d, cos_cache, sin_cache)
    return cos.reshape(BATCH, SEQ, D), sin.reshape(BATCH, SEQ, D)

# --- scband reference (transcript-rebuilt; emitter-appended) ---
"""Pipeline reference for scband-llama3-rope-60936995996152 (READ-ONLY COPY).

The authoritative reference and input builder live on the scoring server;
editing this copy changes nothing except your own understanding.
"""

import math
import jax, jax.numpy as jnp
import numpy as np

HEAD_DIM = 128
ROPE_THETA = 500000.0
FACTOR = 8.0
LOW_FREQ_FACTOR = 1.0
HIGH_FREQ_FACTOR = 4.0
OLD_CONTEXT_LEN = 8192
BATCH = 4
SEQ_LEN = 8192


def _build_caches():
    inv_freq = 1.0 / ROPE_THETA ** (np.arange(0, HEAD_DIM, 2, dtype=np.float32) / HEAD_DIM)
    low_freq_wavelen = OLD_CONTEXT_LEN / LOW_FREQ_FACTOR
    high_freq_wavelen = OLD_CONTEXT_LEN / HIGH_FREQ_FACTOR
    wavelen = 2.0 * math.pi / inv_freq
    inv_freq_llama = np.where(wavelen > low_freq_wavelen, inv_freq / FACTOR, inv_freq)
    smooth_factor = (OLD_CONTEXT_LEN / wavelen - LOW_FREQ_FACTOR) / (HIGH_FREQ_FACTOR - LOW_FREQ_FACTOR)
    smoothed_inv_freq = (1.0 - smooth_factor) * inv_freq_llama / FACTOR + smooth_factor * inv_freq_llama
    is_medium_freq = (~(wavelen < high_freq_wavelen)) & (~(wavelen > low_freq_wavelen))
    inv_freq_llama = np.where(is_medium_freq, smoothed_inv_freq, inv_freq_llama)
    pos = np.arange(OLD_CONTEXT_LEN, dtype=np.float32)
    angles = np.outer(pos, inv_freq_llama).astype(np.float32)
    cos_cache = jnp.asarray(np.cos(angles), dtype=jnp.float32)
    sin_cache = jnp.asarray(np.sin(angles), dtype=jnp.float32)
    return cos_cache, sin_cache


def setup_inputs(seed: int = 0) -> dict:
    key = jax.random.key(seed)
    position_ids = jax.random.randint(key, (BATCH, SEQ_LEN), 0, OLD_CONTEXT_LEN, dtype=jnp.int32)
    cos_cache, sin_cache = _build_caches()
    return {"position_ids": position_ids, "cos_cache": cos_cache, "sin_cache": sin_cache}


def reference(position_ids, cos_cache, sin_cache):
    # get_rotary_pos_emb: gather precomputed cos/sin rows at position_ids
    cos = jnp.take(cos_cache, position_ids, axis=0)
    sin = jnp.take(sin_cache, position_ids, axis=0)
    return cos, sin

if __name__ == "__main__":
    import jax
    _d = setup_inputs()
    print(jax.jit(kernel)(*tuple(_d.values())))

</pallas_src>

<mosaic_0001>
#map = affine_map<(d0, d1) -> (0, 0)>
module attributes {stable_mosaic.version = 14 : i64} {
  func.func @_rope_gather(%arg0: i32, %arg1: i32, %arg2: memref<256x128xi32, #tpu.memory_space<hbm>>, %arg3: memref<8192x64xf32, #tpu.memory_space<hbm>>, %arg4: memref<8192x64xf32, #tpu.memory_space<hbm>>, %arg5: memref<32768x64xf32, #tpu.memory_space<hbm>>, %arg6: memref<32768x64xf32, #tpu.memory_space<hbm>>, %arg7: memref<8x128xi32, #tpu.memory_space<vmem>>, %arg8: memref<2x128x64xf32, #tpu.memory_space<vmem>>, %arg9: memref<2x128x64xf32, #tpu.memory_space<vmem>>, %arg10: memref<!tpu.dma_semaphore, #tpu.memory_space<semaphore_mem>>, %arg11: memref<!tpu.dma_semaphore, #tpu.memory_space<semaphore_mem>>, %arg12: memref<!tpu.dma_semaphore, #tpu.memory_space<semaphore_mem>>, %arg13: memref<!tpu.dma_semaphore, #tpu.memory_space<semaphore_mem>>) attributes {dimension_semantics = [#tpu.dimension_semantics<core_parallel>, #tpu.dimension_semantics<subcore_parallel>], iteration_bounds = array<i64: 2, 16>, scalar_prefetch = 0 : i64, scratch_operands = 7 : i64, tpu.core_type = #tpu.core_type<sc_vector_subcore>, window_params = [{transform_indices = #map}, {transform_indices = #map}, {transform_indices = #map}, {transform_indices = #map}, {transform_indices = #map}]} {
    %mul3A = arith.constant 2 : i32
    %mul3A_0 = arith.muli %arg1, %mul3A : i32
    %add3A = arith.addi %mul3A_0, %arg0 : i32
    %mul3A_1 = arith.constant 8 : i32
    %mul3A_2 = arith.muli %add3A, %mul3A_1 : i32
    "tpu.region"() ({
      %run_scoped3A = tpu.sem_alloc : memref<!tpu.dma_semaphore, #tpu.memory_space<semaphore_mem>>
      %dma_start3A_846 = arith.constant 0 : i32
      %dma_start3A_847 = tpu.memref_slice %arg2[%mul3A_2, %dma_start3A_846] : memref<256x128xi32, #tpu.memory_space<hbm>> -> memref<8x128xi32, #tpu.memory_space<hbm>>
      %dma_start3A_848 = arith.constant 0 : i32
      %dma_start3A_849 = tpu.memref_slice %arg2[%mul3A_2, %dma_start3A_848] : memref<256x128xi32, #tpu.memory_space<hbm>> -> memref<8x128xi32, #tpu.memory_space<hbm>>
      tpu.enqueue_dma source(%dma_start3A_849 : memref<8x128xi32, #tpu.memory_space<hbm>>) target(%arg7 : memref<8x128xi32, #tpu.memory_space<vmem>>) target_semaphore(%run_scoped3A : memref<!tpu.dma_semaphore, #tpu.memory_space<semaphore_mem>>)
      %dma_wait3A_850 = arith.constant 0 : i32
      %dma_wait3A_851 = tpu.memref_slice %arg2[%mul3A_2, %dma_wait3A_850] : memref<256x128xi32, #tpu.memory_space<hbm>> -> memref<8x128xi32, #tpu.memory_space<hbm>>
      %dma_wait3A_852 = arith.constant 0 : i32
      %dma_wait3A_853 = tpu.memref_slice %arg2[%mul3A_2, %dma_wait3A_852] : memref<256x128xi32, #tpu.memory_space<hbm>> -> memref<8x128xi32, #tpu.memory_space<hbm>>
      tpu.wait_dma2 semaphore(%run_scoped3A : memref<!tpu.dma_semaphore, #tpu.memory_space<semaphore_mem>>) src(%dma_wait3A_853 : memref<8x128xi32, #tpu.memory_space<hbm>>) dst(%arg7 : memref<8x128xi32, #tpu.memory_space<vmem>>)
      tpu.yield
    }) : () -> ()
    %dma_start3A = arith.constant 0 : i32
    %dma_start3A_3 = arith.constant 0 : i32
    %dma_start3A_4 = arith.constant 0 : i32
    %dma_start3A_5 = arith.constant 0 : i32
    %dma_start3A_6 = tpu.memref_slice %arg8[%dma_start3A_3, %dma_start3A_4, %dma_start3A_5] : memref<2x128x64xf32, #tpu.memory_space<vmem>> -> memref<1x128x64xf32, #tpu.memory_space<vmem>>
    %dma_start3A_7 = tpu.memref_squeeze %dma_start3A_6 : memref<1x128x64xf32, #tpu.memory_space<vmem>> -> memref<128x64xf32, #tpu.memory_space<vmem>>
    %dma_start3A_8 = arith.constant 0 : i32
    %dma_start3A_9 = tpu.memref_slice %arg7[%dma_start3A, %dma_start3A_8] : memref<8x128xi32, #tpu.memory_space<vmem>> -> memref<1x128xi32, #tpu.memory_space<vmem>>
    %dma_start3A_10 = tpu.memref_squeeze %dma_start3A_9 : memref<1x128xi32, #tpu.memory_space<vmem>> -> memref<128xi32, #tpu.memory_space<vmem>>
    %dma_start3A_11 = arith.constant 0 : i32
    %dma_start3A_12 = arith.constant 0 : i32
    %dma_start3A_13 = tpu.memref_slice %arg3[%dma_start3A_11, %dma_start3A_12] : memref<8192x64xf32, #tpu.memory_space<hbm>> -> memref<8192x64xf32, #tpu.memory_space<hbm>>
    tpu.enqueue_indirect_dma source(%dma_start3A_13 : memref<8192x64xf32, #tpu.memory_space<hbm>>) target(%dma_start3A_7 : memref<128x64xf32, #tpu.memory_space<vmem>>) offsets(%dma_start3A_10 : memref<128xi32, #tpu.memory_space<vmem>>) semaphore(%arg10 : memref<!tpu.dma_semaphore, #tpu.memory_space<semaphore_mem>>)
    %dma_start3A_14 = arith.constant 0 : i32
    %dma_start3A_15 = arith.constant 0 : i32
    %dma_start3A_16 = arith.constant 0 : i32
    %dma_start3A_17 = arith.constant 0 : i32
    %dma_start3A_18 = tpu.memref_slice %arg9[%dma_start3A_15, %dma_start3A_16, %dma_start3A_17] : memref<2x128x64xf32, #tpu.memory_space<vmem>> -> memref<1x128x64xf32, #tpu.memory_space<vmem>>
    %dma_start3A_19 = tpu.memref_squeeze %dma_start3A_18 : memref<1x128x64xf32, #tpu.memory_space<vmem>> -> memref<128x64xf32, #tpu.memory_space<vmem>>
    %dma_start3A_20 = arith.constant 0 : i32
    %dma_start3A_21 = tpu.memref_slice %arg7[%dma_start3A_14, %dma_start3A_20] : memref<8x128xi32, #tpu.memory_space<vmem>> -> memref<1x128xi32, #tpu.memory_space<vmem>>
    %dma_start3A_22 = tpu.memref_squeeze %dma_start3A_21 : memref<1x128xi32, #tpu.memory_space<vmem>> -> memref<128xi32, #tpu.memory_space<vmem>>
    %dma_start3A_23 = arith.constant 0 : i32
    %dma_start3A_24 = arith.constant 0 : i32
    %dma_start3A_25 = tpu.memref_slice %arg4[%dma_start3A_23, %dma_start3A_24] : memref<8192x64xf32, #tpu.memory_space<hbm>> -> memref<8192x64xf32, #tpu.memory_space<hbm>>
    tpu.enqueue_indirect_dma source(%dma_start3A_25 : memref<8192x64xf32, #tpu.memory_space<hbm>>) target(%dma_start3A_19 : memref<128x64xf32, #tpu.memory_space<vmem>>) offsets(%dma_start3A_22 : memref<128xi32, #tpu.memory_space<vmem>>) semaphore(%arg10 : memref<!tpu.dma_semaphore, #tpu.memory_space<semaphore_mem>>)
    %dma_start3A_26 = arith.constant 1 : i32
    %dma_start3A_27 = arith.constant 1 : i32
    %dma_start3A_28 = arith.constant 0 : i32
    %dma_start3A_29 = arith.constant 0 : i32
    %dma_start3A_30 = tpu.memref_slice %arg8[%dma_start3A_27, %dma_start3A_28, %dma_start3A_29] : memref<2x128x64xf32, #tpu.memory_space<vmem>> -> memref<1x128x64xf32, #tpu.memory_space<vmem>>
    %dma_start3A_31 = tpu.memref_squeeze %dma_start3A_30 : memref<1x128x64xf32, #tpu.memory_space<vmem>> -> memref<128x64xf32, #tpu.memory_space<vmem>>
    %dma_start3A_32 = arith.constant 0 : i32
    %dma_start3A_33 = tpu.memref_slice %arg7[%dma_start3A_26, %dma_start3A_32] : memref<8x128xi32, #tpu.memory_space<vmem>> -> memref<1x128xi32, #tpu.memory_space<vmem>>
    %dma_start3A_34 = tpu.memref_squeeze %dma_start3A_33 : memref<1x128xi32, #tpu.memory_space<vmem>> -> memref<128xi32, #tpu.memory_space<vmem>>
    %dma_start3A_35 = arith.constant 0 : i32
    %dma_start3A_36 = arith.constant 0 : i32
    %dma_start3A_37 = tpu.memref_slice %arg3[%dma_start3A_35, %dma_start3A_36] : memref<8192x64xf32, #tpu.memory_space<hbm>> -> memref<8192x64xf32, #tpu.memory_space<hbm>>
    tpu.enqueue_indirect_dma source(%dma_start3A_37 : memref<8192x64xf32, #tpu.memory_space<hbm>>) target(%dma_start3A_31 : memref<128x64xf32, #tpu.memory_space<vmem>>) offsets(%dma_start3A_34 : memref<128xi32, #tpu.memory_space<vmem>>) semaphore(%arg11 : memref<!tpu.dma_semaphore, #tpu.memory_space<semaphore_mem>>)
    %dma_start3A_38 = arith.constant 1 : i32
    %dma_start3A_39 = arith.constant 1 : i32
    %dma_start3A_40 = arith.constant 0 : i32
    %dma_start3A_41 = arith.constant 0 : i32
    %dma_start3A_42 = tpu.memref_slice %arg9[%dma_start3A_39, %dma_start3A_40, %dma_start3A_41] : memref<2x128x64xf32, #tpu.memory_space<vmem>> -> memref<1x128x64xf32, #tpu.memory_space<vmem>>
    %dma_start3A_43 = tpu.memref_squeeze %dma_start3A_42 : memref<1x128x64xf32, #tpu.memory_space<vmem>> -> memref<128x64xf32, #tpu.memory_space<vmem>>
    %dma_start3A_44 = arith.constant 0 : i32
    %dma_start3A_45 = tpu.memref_slice %arg7[%dma_start3A_38, %dma_start3A_44] : memref<8x128xi32, #tpu.memory_space<vmem>> -> memref<1x128xi32, #tpu.memory_space<vmem>>
    %dma_start3A_46 = tpu.memref_squeeze %dma_start3A_45 : memref<1x128xi32, #tpu.memory_space<vmem>> -> memref<128xi32, #tpu.memory_space<vmem>>
    %dma_start3A_47 = arith.constant 0 : i32
    %dma_start3A_48 = arith.constant 0 : i32
    %dma_start3A_49 = tpu.memref_slice %arg4[%dma_start3A_47, %dma_start3A_48] : memref<8192x64xf32, #tpu.memory_space<hbm>> -> memref<8192x64xf32, #tpu.memory_space<hbm>>
    tpu.enqueue_indirect_dma source(%dma_start3A_49 : memref<8192x64xf32, #tpu.memory_space<hbm>>) target(%dma_start3A_43 : memref<128x64xf32, #tpu.memory_space<vmem>>) offsets(%dma_start3A_46 : memref<128xi32, #tpu.memory_space<vmem>>) semaphore(%arg11 : memref<!tpu.dma_semaphore, #tpu.memory_space<semaphore_mem>>)
    %dma_wait3A = arith.constant 0 : i32
    %dma_wait3A_50 = arith.constant 0 : i32
    %dma_wait3A_51 = arith.constant 0 : i32
    %dma_wait3A_52 = arith.constant 0 : i32
    %dma_wait3A_53 = tpu.memref_slice %arg8[%dma_wait3A_50, %dma_wait3A_51, %dma_wait3A_52] : memref<2x128x64xf32, #tpu.memory_space<vmem>> -> memref<1x128x64xf32, #tpu.memory_space<vmem>>
    %dma_wait3A_54 = tpu.memref_squeeze %dma_wait3A_53 : memref<1x128x64xf32, #tpu.memory_space<vmem>> -> memref<128x64xf32, #tpu.memory_space<vmem>>
    %dma_wait3A_55 = arith.constant 0 : i32
    %dma_wait3A_56 = tpu.memref_slice %arg7[%dma_wait3A, %dma_wait3A_55] : memref<8x128xi32, #tpu.memory_space<vmem>> -> memref<1x128xi32, #tpu.memory_space<vmem>>
    %dma_wait3A_57 = tpu.memref_squeeze %dma_wait3A_56 : memref<1x128xi32, #tpu.memory_space<vmem>> -> memref<128xi32, #tpu.memory_space<vmem>>
    %dma_wait3A_58 = arith.constant 0 : i32
    %dma_wait3A_59 = arith.constant 0 : i32
    %dma_wait3A_60 = tpu.memref_slice %arg3[%dma_wait3A_58, %dma_wait3A_59] : memref<8192x64xf32, #tpu.memory_space<hbm>> -> memref<8192x64xf32, #tpu.memory_space<hbm>>
    tpu.wait_indirect_dma semaphore(%arg10 : memref<!tpu.dma_semaphore, #tpu.memory_space<semaphore_mem>>) src(%dma_wait3A_60 : memref<8192x64xf32, #tpu.memory_space<hbm>>) dst(%dma_wait3A_54 : memref<128x64xf32, #tpu.memory_space<vmem>>)
    %dma_wait3A_61 = arith.constant 0 : i32
    %dma_wait3A_62 = arith.constant 0 : i32
    %dma_wait3A_63 = arith.constant 0 : i32
    %dma_wait3A_64 = arith.constant 0 : i32
    %dma_wait3A_65 = tpu.memref_slice %arg9[%dma_wait3A_62, %dma_wait3A_63, %dma_wait3A_64] : memref<2x128x64xf32, #tpu.memory_space<vmem>> -> memref<1x128x64xf32, #tpu.memory_space<vmem>>
    %dma_wait3A_66 = tpu.memref_squeeze %dma_wait3A_65 : memref<1x128x64xf32, #tpu.memory_space<vmem>> -> memref<128x64xf32, #tpu.memory_space<vmem>>
    %dma_wait3A_67 = arith.constant 0 : i32
    %dma_wait3A_68 = tpu.memref_slice %arg7[%dma_wait3A_61, %dma_wait3A_67] : memref<8x128xi32, #tpu.memory_space<vmem>> -> memref<1x128xi32, #tpu.memory_space<vmem>>
    %dma_wait3A_69 = tpu.memref_squeeze %dma_wait3A_68 : memref<1x128xi32, #tpu.memory_space<vmem>> -> memref<128xi32, #tpu.memory_space<vmem>>
    %dma_wait3A_70 = arith.constant 0 : i32
    %dma_wait3A_71 = arith.constant 0 : i32
    %dma_wait3A_72 = tpu.memref_slice %arg4[%dma_wait3A_70, %dma_wait3A_71] : memref<8192x64xf32, #tpu.memory_space<hbm>> -> memref<8192x64xf32, #tpu.memory_space<hbm>>
    tpu.wait_indirect_dma semaphore(%arg10 : memref<!tpu.dma_semaphore, #tpu.memory_space<semaphore_mem>>) src(%dma_wait3A_72 : memref<8192x64xf32, #tpu.memory_space<hbm>>) dst(%dma_wait3A_66 : memref<128x64xf32, #tpu.memory_space<vmem>>)
    %add3A_73 = arith.constant 1 : i32
    %add3A_74 = arith.addi %mul3A_2, %add3A_73 : i32
    %sub3A = arith.constant 1 : i32
    %sub3A_75 = arith.subi %add3A_74, %sub3A : i32
    %mul3A_76 = arith.constant 128 : i32
    %mul3A_77 = arith.muli %sub3A_75, %mul3A_76 : i32
    %dma_start3A_78 = arith.constant 0 : i32
    %dma_start3A_79 = arith.constant 0 : i32
    %dma_start3A_80 = arith.constant 0 : i32
    %dma_start3A_81 = tpu.memref_slice %arg8[%dma_start3A_78, %dma_start3A_79, %dma_start3A_80] : memref<2x128x64xf32, #tpu.memory_space<vmem>> -> memref<1x128x64xf32, #tpu.memory_space<vmem>>
    %dma_start3A_82 = tpu.memref_squeeze %dma_start3A_81 : memref<1x128x64xf32, #tpu.memory_space<vmem>> -> memref<128x64xf32, #tpu.memory_space<vmem>>
    %dma_start3A_83 = arith.constant 0 : i32
    %dma_start3A_84 = tpu.memref_slice %arg5[%mul3A_77, %dma_start3A_83] : memref<32768x64xf32, #tpu.memory_space<hbm>> -> memref<128x64xf32, #tpu.memory_space<hbm>>
    %dma_start3A_85 = arith.constant 0 : i32
    %dma_start3A_86 = tpu.memref_slice %arg5[%mul3A_77, %dma_start3A_85] : memref<32768x64xf32, #tpu.memory_space<hbm>> -> memref<128x64xf32, #tpu.memory_space<hbm>>
    %dma_start3A_87 = arith.constant 0 : i32
    %dma_start3A_88 = arith.constant 0 : i32
    %dma_start3A_89 = tpu.memref_slice %arg8[%dma_start3A_78, %dma_start3A_87, %dma_start3A_88] : memref<2x128x64xf32, #tpu.memory_space<vmem>> -> memref<1x128x64xf32, #tpu.memory_space<vmem>>
    %dma_start3A_90 = tpu.memref_squeeze %dma_start3A_89 : memref<1x128x64xf32, #tpu.memory_space<vmem>> -> memref<128x64xf32, #tpu.memory_space<vmem>>
    tpu.enqueue_dma source(%dma_start3A_90 : memref<128x64xf32, #tpu.memory_space<vmem>>) target(%dma_start3A_86 : memref<128x64xf32, #tpu.memory_space<hbm>>) target_semaphore(%arg12 : memref<!tpu.dma_semaphore, #tpu.memory_space<semaphore_mem>>)
    %dma_start3A_91 = arith.constant 0 : i32
    %dma_start3A_92 = arith.constant 0 : i32
    %dma_start3A_93 = arith.constant 0 : i32
    %dma_start3A_94 = tpu.memref_slice %arg9[%dma_start3A_91, %dma_start3A_92, %dma_start3A_93] : memref<2x128x64xf32, #tpu.memory_space<vmem>> -> memref<1x128x64xf32, #tpu.memory_space<vmem>>
    %dma_start3A_95 = tpu.memref_squeeze %dma_start3A_94 : memref<1x128x64xf32, #tpu.memory_space<vmem>> -> memref<128x64xf32, #tpu.memory_space<vmem>>
    %dma_start3A_96 = arith.constant 0 : i32
    %dma_start3A_97 = tpu.memref_slice %arg6[%mul3A_77, %dma_start3A_96] : memref<32768x64xf32, #tpu.memory_space<hbm>> -> memref<128x64xf32, #tpu.memory_space<hbm>>
    %dma_start3A_98 = arith.constant 0 : i32
    %dma_start3A_99 = tpu.memref_slice %arg6[%mul3A_77, %dma_start3A_98] : memref<32768x64xf32, #tpu.memory_space<hbm>> -> memref<128x64xf32, #tpu.memory_space<hbm>>
    %dma_start3A_100 = arith.constant 0 : i32
    %dma_start3A_101 = arith.constant 0 : i32
    %dma_start3A_102 = tpu.memref_slice %arg9[%dma_start3A_91, %dma_start3A_100, %dma_start3A_101] : memref<2x128x64xf32, #tpu.memory_space<vmem>> -> memref<1x128x64xf32, #tpu.memory_space<vmem>>
    %dma_start3A_103 = tpu.memref_squeeze %dma_start3A_102 : memref<1x128x64xf32, #tpu.memory_space<vmem>> -> memref<128x64xf32, #tpu.memory_space<vmem>>
    tpu.enqueue_dma source(%dma_start3A_103 : memref<128x64xf32, #tpu.memory_space<vmem>>) target(%dma_start3A_99 : memref<128x64xf32, #tpu.memory_space<hbm>>) target_semaphore(%arg12 : memref<!tpu.dma_semaphore, #tpu.memory_space<semaphore_mem>>)
    %dma_wait3A_104 = arith.constant 0 : i32
    %dma_wait3A_105 = arith.constant 0 : i32
    %dma_wait3A_106 = arith.constant 0 : i32
    %dma_wait3A_107 = tpu.memref_slice %arg8[%dma_wait3A_104, %dma_wait3A_105, %dma_wait3A_106] : memref<2x128x64xf32, #tpu.memory_space<vmem>> -> memref<1x128x64xf32, #tpu.memory_space<vmem>>
    %dma_wait3A_108 = tpu.memref_squeeze %dma_wait3A_107 : memref<1x128x64xf32, #tpu.memory_space<vmem>> -> memref<128x64xf32, #tpu.memory_space<vmem>>
    %dma_wait3A_109 = arith.constant 0 : i32
    %dma_wait3A_110 = tpu.memref_slice %arg5[%mul3A_77, %dma_wait3A_109] : memref<32768x64xf32, #tpu.memory_space<hbm>> -> memref<128x64xf32, #tpu.memory_space<hbm>>
    %dma_wait3A_111 = arith.constant 0 : i32
    %dma_wait3A_112 = tpu.memref_slice %arg5[%mul3A_77, %dma_wait3A_111] : memref<32768x64xf32, #tpu.memory_space<hbm>> -> memref<128x64xf32, #tpu.memory_space<hbm>>
    %dma_wait3A_113 = arith.constant 0 : i32
    %dma_wait3A_114 = arith.constant 0 : i32
    %dma_wait3A_115 = tpu.memref_slice %arg8[%dma_wait3A_104, %dma_wait3A_113, %dma_wait3A_114] : memref<2x128x64xf32, #tpu.memory_space<vmem>> -> memref<1x128x64xf32, #tpu.memory_space<vmem>>
    %dma_wait3A_116 = tpu.memref_squeeze %dma_wait3A_115 : memref<1x128x64xf32, #tpu.memory_space<vmem>> -> memref<128x64xf32, #tpu.memory_space<vmem>>
    tpu.wait_dma2 semaphore(%arg12 : memref<!tpu.dma_semaphore, #tpu.memory_space<semaphore_mem>>) src(%dma_wait3A_116 : memref<128x64xf32, #tpu.memory_space<vmem>>) dst(%dma_wait3A_112 : memref<128x64xf32, #tpu.memory_space<hbm>>)
    %dma_wait3A_117 = arith.constant 0 : i32
    %dma_wait3A_118 = arith.constant 0 : i32
    %dma_wait3A_119 = arith.constant 0 : i32
    %dma_wait3A_120 = tpu.memref_slice %arg9[%dma_wait3A_117, %dma_wait3A_118, %dma_wait3A_119] : memref<2x128x64xf32, #tpu.memory_space<vmem>> -> memref<1x128x64xf32, #tpu.memory_space<vmem>>
    %dma_wait3A_121 = tpu.memref_squeeze %dma_wait3A_120 : memref<1x128x64xf32, #tpu.memory_space<vmem>> -> memref<128x64xf32, #tpu.memory_space<vmem>>
    %dma_wait3A_122 = arith.constant 0 : i32
    %dma_wait3A_123 = tpu.memref_slice %arg6[%mul3A_77, %dma_wait3A_122] : memref<32768x64xf32, #tpu.memory_space<hbm>> -> memref<128x64xf32, #tpu.memory_space<hbm>>
    %dma_wait3A_124 = arith.constant 0 : i32
    %dma_wait3A_125 = tpu.memref_slice %arg6[%mul3A_77, %dma_wait3A_124] : memref<32768x64xf32, #tpu.memory_space<hbm>> -> memref<128x64xf32, #tpu.memory_space<hbm>>
    %dma_wait3A_126 = arith.constant 0 : i32
    %dma_wait3A_127 = arith.constant 0 : i32
    %dma_wait3A_128 = tpu.memref_slice %arg9[%dma_wait3A_117, %dma_wait3A_126, %dma_wait3A_127] : memref<2x128x64xf32, #tpu.memory_space<vmem>> -> memref<1x128x64xf32, #tpu.memory_space<vmem>>
    %dma_wait3A_129 = tpu.memref_squeeze %dma_wait3A_128 : memref<1x128x64xf32, #tpu.memory_space<vmem>> -> memref<128x64xf32, #tpu.memory_space<vmem>>
    tpu.wait_dma2 semaphore(%arg12 : memref<!tpu.dma_semaphore, #tpu.memory_space<semaphore_mem>>) src(%dma_wait3A_129 : memref<128x64xf32, #tpu.memory_space<vmem>>) dst(%dma_wait3A_125 : memref<128x64xf32, #tpu.memory_space<hbm>>)
    %dma_start3A_130 = arith.constant 2 : i32
    %dma_start3A_131 = arith.constant 0 : i32
    %dma_start3A_132 = arith.constant 0 : i32
    %dma_start3A_133 = arith.constant 0 : i32
    %dma_start3A_134 = tpu.memref_slice %arg8[%dma_start3A_131, %dma_start3A_132, %dma_start3A_133] : memref<2x128x64xf32, #tpu.memory_space<vmem>> -> memref<1x128x64xf32, #tpu.memory_space<vmem>>
    %dma_start3A_135 = tpu.memref_squeeze %dma_start3A_134 : memref<1x128x64xf32, #tpu.memory_space<vmem>> -> memref<128x64xf32, #tpu.memory_space<vmem>>
    %dma_start3A_136 = arith.constant 0 : i32
    %dma_start3A_137 = tpu.memref_slice %arg7[%dma_start3A_130, %dma_start3A_136] : memref<8x128xi32, #tpu.memory_space<vmem>> -> memref<1x128xi32, #tpu.memory_space<vmem>>
    %dma_start3A_138 = tpu.memref_squeeze %dma_start3A_137 : memref<1x128xi32, #tpu.memory_space<vmem>> -> memref<128xi32, #tpu.memory_space<vmem>>
    %dma_start3A_139 = arith.constant 0 : i32
    %dma_start3A_140 = arith.constant 0 : i32
    %dma_start3A_141 = tpu.memref_slice %arg3[%dma_start3A_139, %dma_start3A_140] : memref<8192x64xf32, #tpu.memory_space<hbm>> -> memref<8192x64xf32, #tpu.memory_space<hbm>>
    tpu.enqueue_indirect_dma source(%dma_start3A_141 : memref<8192x64xf32, #tpu.memory_space<hbm>>) target(%dma_start3A_135 : memref<128x64xf32, #tpu.memory_space<vmem>>) offsets(%dma_start3A_138 : memref<128xi32, #tpu.memory_space<vmem>>) semaphore(%arg10 : memref<!tpu.dma_semaphore, #tpu.memory_space<semaphore_mem>>)
    %dma_start3A_142 = arith.constant 2 : i32
    %dma_start3A_143 = arith.constant 0 : i32
    %dma_start3A_144 = arith.constant 0 : i32
    %dma_start3A_145 = arith.constant 0 : i32
    %dma_start3A_146 = tpu.memref_slice %arg9[%dma_start3A_143, %dma_start3A_144, %dma_start3A_145] : memref<2x128x64xf32, #tpu.memory_space<vmem>> -> memref<1x128x64xf32, #tpu.memory_space<vmem>>
    %dma_start3A_147 = tpu.memref_squeeze %dma_start3A_146 : memref<1x128x64xf32, #tpu.memory_space<vmem>> -> memref<128x64xf32, #tpu.memory_space<vmem>>
    %dma_start3A_148 = arith.constant 0 : i32
    %dma_start3A_149 = tpu.memref_slice %arg7[%dma_start3A_142, %dma_start3A_148] : memref<8x128xi32, #tpu.memory_space<vmem>> -> memref<1x128xi32, #tpu.memory_space<vmem>>
    %dma_start3A_150 = tpu.memref_squeeze %dma_start3A_149 : memref<1x128xi32, #tpu.memory_space<vmem>> -> memref<128xi32, #tpu.memory_space<vmem>>
    %dma_start3A_151 = arith.constant 0 : i32
    %dma_start3A_152 = arith.constant 0 : i32
    %dma_start3A_153 = tpu.memref_slice %arg4[%dma_start3A_151, %dma_start3A_152] : memref<8192x64xf32, #tpu.memory_space<hbm>> -> memref<8192x64xf32, #tpu.memory_space<hbm>>
    tpu.enqueue_indirect_dma source(%dma_start3A_153 : memref<8192x64xf32, #tpu.memory_space<hbm>>) target(%dma_start3A_147 : memref<128x64xf32, #tpu.memory_space<vmem>>) offsets(%dma_start3A_150 : memref<128xi32, #tpu.memory_space<vmem>>) semaphore(%arg10 : memref<!tpu.dma_semaphore, #tpu.memory_space<semaphore_mem>>)
    %dma_wait3A_154 = arith.constant 1 : i32
    %dma_wait3A_155 = arith.constant 1 : i32
    %dma_wait3A_156 = arith.constant 0 : i32
    %dma_wait3A_157 = arith.constant 0 : i32
    %dma_wait3A_158 = tpu.memref_slice %arg8[%dma_wait3A_155, %dma_wait3A_156, %dma_wait3A_157] : memref<2x128x64xf32, #tpu.memory_space<vmem>> -> memref<1x128x64xf32, #tpu.memory_space<vmem>>
    %dma_wait3A_159 = tpu.memref_squeeze %dma_wait3A_158 : memref<1x128x64xf32, #tpu.memory_space<vmem>> -> memref<128x64xf32, #tpu.memory_space<vmem>>
    %dma_wait3A_160 = arith.constant 0 : i32
    %dma_wait3A_161 = tpu.memref_slice %arg7[%dma_wait3A_154, %dma_wait3A_160] : memref<8x128xi32, #tpu.memory_space<vmem>> -> memref<1x128xi32, #tpu.memory_space<vmem>>
    %dma_wait3A_162 = tpu.memref_squeeze %dma_wait3A_161 : memref<1x128xi32, #tpu.memory_space<vmem>> -> memref<128xi32, #tpu.memory_space<vmem>>
    %dma_wait3A_163 = arith.constant 0 : i32
    %dma_wait3A_164 = arith.constant 0 : i32
    %dma_wait3A_165 = tpu.memref_slice %arg3[%dma_wait3A_163, %dma_wait3A_164] : memref<8192x64xf32, #tpu.memory_space<hbm>> -> memref<8192x64xf32, #tpu.memory_space<hbm>>
    tpu.wait_indirect_dma semaphore(%arg11 : memref<!tpu.dma_semaphore, #tpu.memory_space<semaphore_mem>>) src(%dma_wait3A_165 : memref<8192x64xf32, #tpu.memory_space<hbm>>) dst(%dma_wait3A_159 : memref<128x64xf32, #tpu.memory_space<vmem>>)
    %dma_wait3A_166 = arith.constant 1 : i32
    %dma_wait3A_167 = arith.constant 1 : i32
    %dma_wait3A_168 = arith.constant 0 : i32
    %dma_wait3A_169 = arith.constant 0 : i32
    %dma_wait3A_170 = tpu.memref_slice %arg9[%dma_wait3A_167, %dma_wait3A_168, %dma_wait3A_169] : memref<2x128x64xf32, #tpu.memory_space<vmem>> -> memref<1x128x64xf32, #tpu.memory_space<vmem>>
    %dma_wait3A_171 = tpu.memref_squeeze %dma_wait3A_170 : memref<1x128x64xf32, #tpu.memory_space<vmem>> -> memref<128x64xf32, #tpu.memory_space<vmem>>
    %dma_wait3A_172 = arith.constant 0 : i32
    %dma_wait3A_173 = tpu.memref_slice %arg7[%dma_wait3A_166, %dma_wait3A_172] : memref<8x128xi32, #tpu.memory_space<vmem>> -> memref<1x128xi32, #tpu.memory_space<vmem>>
    %dma_wait3A_174 = tpu.memref_squeeze %dma_wait3A_173 : memref<1x128xi32, #tpu.memory_space<vmem>> -> memref<128xi32, #tpu.memory_space<vmem>>
    %dma_wait3A_175 = arith.constant 0 : i32
    %dma_wait3A_176 = arith.constant 0 : i32
    %dma_wait3A_177 = tpu.memref_slice %arg4[%dma_wait3A_175, %dma_wait3A_176] : memref<8192x64xf32, #tpu.memory_space<hbm>> -> memref<8192x64xf32, #tpu.memory_space<hbm>>
    tpu.wait_indirect_dma semaphore(%arg11 : memref<!tpu.dma_semaphore, #tpu.memory_space<semaphore_mem>>) src(%dma_wait3A_177 : memref<8192x64xf32, #tpu.memory_space<hbm>>) dst(%dma_wait3A_171 : memref<128x64xf32, #tpu.memory_space<vmem>>)
    %add3A_178 = arith.constant 2 : i32
    %add3A_179 = arith.addi %mul3A_2, %add3A_178 : i32
    %sub3A_180 = arith.constant 1 : i32
    %sub3A_181 = arith.subi %add3A_179, %sub3A_180 : i32
    %mul3A_182 = arith.constant 128 : i32
    %mul3A_183 = arith.muli %sub3A_181, %mul3A_182 : i32
    %dma_start3A_184 = arith.constant 1 : i32
    %dma_start3A_185 = arith.constant 0 : i32
    %dma_start3A_186 = arith.constant 0 : i32
    %dma_start3A_187 = tpu.memref_slice %arg8[%dma_start3A_184, %dma_start3A_185, %dma_start3A_186] : memref<2x128x64xf32, #tpu.memory_space<vmem>> -> memref<1x128x64xf32, #tpu.memory_space<vmem>>
    %dma_start3A_188 = tpu.memref_squeeze %dma_start3A_187 : memref<1x128x64xf32, #tpu.memory_space<vmem>> -> memref<128x64xf32, #tpu.memory_space<vmem>>
    %dma_start3A_189 = arith.constant 0 : i32
    %dma_start3A_190 = tpu.memref_slice %arg5[%mul3A_183, %dma_start3A_189] : memref<32768x64xf32, #tpu.memory_space<hbm>> -> memref<128x64xf32, #tpu.memory_space<hbm>>
    %dma_start3A_191 = arith.constant 0 : i32
    %dma_start3A_192 = tpu.memref_slice %arg5[%mul3A_183, %dma_start3A_191] : memref<32768x64xf32, #tpu.memory_space<hbm>> -> memref<128x64xf32, #tpu.memory_space<hbm>>
    %dma_start3A_193 = arith.constant 0 : i32
    %dma_start3A_194 = arith.constant 0 : i32
    %dma_start3A_195 = tpu.memref_slice %arg8[%dma_start3A_184, %dma_start3A_193, %dma_start3A_194] : memref<2x128x64xf32, #tpu.memory_space<vmem>> -> memref<1x128x64xf32, #tpu.memory_space<vmem>>
    %dma_start3A_196 = tpu.memref_squeeze %dma_start3A_195 : memref<1x128x64xf32, #tpu.memory_space<vmem>> -> memref<128x64xf32, #tpu.memory_space<vmem>>
    tpu.enqueue_dma source(%dma_start3A_196 : memref<128x64xf32, #tpu.memory_space<vmem>>) target(%dma_start3A_192 : memref<128x64xf32, #tpu.memory_space<hbm>>) target_semaphore(%arg13 : memref<!tpu.dma_semaphore, #tpu.memory_space<semaphore_mem>>)
    %dma_start3A_197 = arith.constant 1 : i32
    %dma_start3A_198 = arith.constant 0 : i32
    %dma_start3A_199 = arith.constant 0 : i32
    %dma_start3A_200 = tpu.memref_slice %arg9[%dma_start3A_197, %dma_start3A_198, %dma_start3A_199] : memref<2x128x64xf32, #tpu.memory_space<vmem>> -> memref<1x128x64xf32, #tpu.memory_space<vmem>>
    %dma_start3A_201 = tpu.memref_squeeze %dma_start3A_200 : memref<1x128x64xf32, #tpu.memory_space<vmem>> -> memref<128x64xf32, #tpu.memory_space<vmem>>
    %dma_start3A_202 = arith.constant 0 : i32
    %dma_start3A_203 = tpu.memref_slice %arg6[%mul3A_183, %dma_start3A_202] : memref<32768x64xf32, #tpu.memory_space<hbm>> -> memref<128x64xf32, #tpu.memory_space<hbm>>
    %dma_start3A_204 = arith.constant 0 : i32
    %dma_start3A_205 = tpu.memref_slice %arg6[%mul3A_183, %dma_start3A_204] : memref<32768x64xf32, #tpu.memory_space<hbm>> -> memref<128x64xf32, #tpu.memory_space<hbm>>
    %dma_start3A_206 = arith.constant 0 : i32
    %dma_start3A_207 = arith.constant 0 : i32
    %dma_start3A_208 = tpu.memref_slice %arg9[%dma_start3A_197, %dma_start3A_206, %dma_start3A_207] : memref<2x128x64xf32, #tpu.memory_space<vmem>> -> memref<1x128x64xf32, #tpu.memory_space<vmem>>
    %dma_start3A_209 = tpu.memref_squeeze %dma_start3A_208 : memref<1x128x64xf32, #tpu.memory_space<vmem>> -> memref<128x64xf32, #tpu.memory_space<vmem>>
    tpu.enqueue_dma source(%dma_start3A_209 : memref<128x64xf32, #tpu.memory_space<vmem>>) target(%dma_start3A_205 : memref<128x64xf32, #tpu.memory_space<hbm>>) target_semaphore(%arg13 : memref<!tpu.dma_semaphore, #tpu.memory_space<semaphore_mem>>)
    %dma_wait3A_210 = arith.constant 1 : i32
    %dma_wait3A_211 = arith.constant 0 : i32
    %dma_wait3A_212 = arith.constant 0 : i32
    %dma_wait3A_213 = tpu.memref_slice %arg8[%dma_wait3A_210, %dma_wait3A_211, %dma_wait3A_212] : memref<2x128x64xf32, #tpu.memory_space<vmem>> -> memref<1x128x64xf32, #tpu.memory_space<vmem>>
    %dma_wait3A_214 = tpu.memref_squeeze %dma_wait3A_213 : memref<1x128x64xf32, #tpu.memory_space<vmem>> -> memref<128x64xf32, #tpu.memory_space<vmem>>
    %dma_wait3A_215 = arith.constant 0 : i32
    %dma_wait3A_216 = tpu.memref_slice %arg5[%mul3A_183, %dma_wait3A_215] : memref<32768x64xf32, #tpu.memory_space<hbm>> -> memref<128x64xf32, #tpu.memory_space<hbm>>
    %dma_wait3A_217 = arith.constant 0 : i32
    %dma_wait3A_218 = tpu.memref_slice %arg5[%mul3A_183, %dma_wait3A_217] : memref<32768x64xf32, #tpu.memory_space<hbm>> -> memref<128x64xf32, #tpu.memory_space<hbm>>
    %dma_wait3A_219 = arith.constant 0 : i32
    %dma_wait3A_220 = arith.constant 0 : i32
    %dma_wait3A_221 = tpu.memref_slice %arg8[%dma_wait3A_210, %dma_wait3A_219, %dma_wait3A_220] : memref<2x128x64xf32, #tpu.memory_space<vmem>> -> memref<1x128x64xf32, #tpu.memory_space<vmem>>
    %dma_wait3A_222 = tpu.memref_squeeze %dma_wait3A_221 : memref<1x128x64xf32, #tpu.memory_space<vmem>> -> memref<128x64xf32, #tpu.memory_space<vmem>>
    tpu.wait_dma2 semaphore(%arg13 : memref<!tpu.dma_semaphore, #tpu.memory_space<semaphore_mem>>) src(%dma_wait3A_222 : memref<128x64xf32, #tpu.memory_space<vmem>>) dst(%dma_wait3A_218 : memref<128x64xf32, #tpu.memory_space<hbm>>)
    %dma_wait3A_223 = arith.constant 1 : i32
    %dma_wait3A_224 = arith.constant 0 : i32
    %dma_wait3A_225 = arith.constant 0 : i32
    %dma_wait3A_226 = tpu.memref_slice %arg9[%dma_wait3A_223, %dma_wait3A_224, %dma_wait3A_225] : memref<2x128x64xf32, #tpu.memory_space<vmem>> -> memref<1x128x64xf32, #tpu.memory_space<vmem>>
    %dma_wait3A_227 = tpu.memref_squeeze %dma_wait3A_226 : memref<1x128x64xf32, #tpu.memory_space<vmem>> -> memref<128x64xf32, #tpu.memory_space<vmem>>
    %dma_wait3A_228 = arith.constant 0 : i32
    %dma_wait3A_229 = tpu.memref_slice %arg6[%mul3A_183, %dma_wait3A_228] : memref<32768x64xf32, #tpu.memory_space<hbm>> -> memref<128x64xf32, #tpu.memory_space<hbm>>
    %dma_wait3A_230 = arith.constant 0 : i32
    %dma_wait3A_231 = tpu.memref_slice %arg6[%mul3A_183, %dma_wait3A_230] : memref<32768x64xf32, #tpu.memory_space<hbm>> -> memref<128x64xf32, #tpu.memory_space<hbm>>
    %dma_wait3A_232 = arith.constant 0 : i32
    %dma_wait3A_233 = arith.constant 0 : i32
    %dma_wait3A_234 = tpu.memref_slice %arg9[%dma_wait3A_223, %dma_wait3A_232, %dma_wait3A_233] : memref<2x128x64xf32, #tpu.memory_space<vmem>> -> memref<1x128x64xf32, #tpu.memory_space<vmem>>
    %dma_wait3A_235 = tpu.memref_squeeze %dma_wait3A_234 : memref<1x128x64xf32, #tpu.memory_space<vmem>> -> memref<128x64xf32, #tpu.memory_space<vmem>>
    tpu.wait_dma2 semaphore(%arg13 : memref<!tpu.dma_semaphore, #tpu.memory_space<semaphore_mem>>) src(%dma_wait3A_235 : memref<128x64xf32, #tpu.memory_space<vmem>>) dst(%dma_wait3A_231 : memref<128x64xf32, #tpu.memory_space<hbm>>)
    %dma_start3A_236 = arith.constant 3 : i32
    %dma_start3A_237 = arith.constant 1 : i32
    %dma_start3A_238 = arith.constant 0 : i32
    %dma_start3A_239 = arith.constant 0 : i32
    %dma_start3A_240 = tpu.memref_slice %arg8[%dma_start3A_237, %dma_start3A_238, %dma_start3A_239] : memref<2x128x64xf32, #tpu.memory_space<vmem>> -> memref<1x128x64xf32, #tpu.memory_space<vmem>>
    %dma_start3A_241 = tpu.memref_squeeze %dma_start3A_240 : memref<1x128x64xf32, #tpu.memory_space<vmem>> -> memref<128x64xf32, #tpu.memory_space<vmem>>
    %dma_start3A_242 = arith.constant 0 : i32
    %dma_start3A_243 = tpu.memref_slice %arg7[%dma_start3A_236, %dma_start3A_242] : memref<8x128xi32, #tpu.memory_space<vmem>> -> memref<1x128xi32, #tpu.memory_space<vmem>>
    %dma_start3A_244 = tpu.memref_squeeze %dma_start3A_243 : memref<1x128xi32, #tpu.memory_space<vmem>> -> memref<128xi32, #tpu.memory_space<vmem>>
    %dma_start3A_245 = arith.constant 0 : i32
    %dma_start3A_246 = arith.constant 0 : i32
    %dma_start3A_247 = tpu.memref_slice %arg3[%dma_start3A_245, %dma_start3A_246] : memref<8192x64xf32, #tpu.memory_space<hbm>> -> memref<8192x64xf32, #tpu.memory_space<hbm>>
    tpu.enqueue_indirect_dma source(%dma_start3A_247 : memref<8192x64xf32, #tpu.memory_space<hbm>>) target(%dma_start3A_241 : memref<128x64xf32, #tpu.memory_space<vmem>>) offsets(%dma_start3A_244 : memref<128xi32, #tpu.memory_space<vmem>>) semaphore(%arg11 : memref<!tpu.dma_semaphore, #tpu.memory_space<semaphore_mem>>)
    %dma_start3A_248 = arith.constant 3 : i32
    %dma_start3A_249 = arith.constant 1 : i32
    %dma_start3A_250 = arith.constant 0 : i32
    %dma_start3A_251 = arith.constant 0 : i32
    %dma_start3A_252 = tpu.memref_slice %arg9[%dma_start3A_249, %dma_start3A_250, %dma_start3A_251] : memref<2x128x64xf32, #tpu.memory_space<vmem>> -> memref<1x128x64xf32, #tpu.memory_space<vmem>>
    %dma_start3A_253 = tpu.memref_squeeze %dma_start3A_252 : memref<1x128x64xf32, #tpu.memory_space<vmem>> -> memref<128x64xf32, #tpu.memory_space<vmem>>
    %dma_start3A_254 = arith.constant 0 : i32
    %dma_start3A_255 = tpu.memref_slice %arg7[%dma_start3A_248, %dma_start3A_254] : memref<8x128xi32, #tpu.memory_space<vmem>> -> memref<1x128xi32, #tpu.memory_space<vmem>>
    %dma_start3A_256 = tpu.memref_squeeze %dma_start3A_255 : memref<1x128xi32, #tpu.memory_space<vmem>> -> memref<128xi32, #tpu.memory_space<vmem>>
    %dma_start3A_257 = arith.constant 0 : i32
    %dma_start3A_258 = arith.constant 0 : i32
    %dma_start3A_259 = tpu.memref_slice %arg4[%dma_start3A_257, %dma_start3A_258] : memref<8192x64xf32, #tpu.memory_space<hbm>> -> memref<8192x64xf32, #tpu.memory_space<hbm>>
    tpu.enqueue_indirect_dma source(%dma_start3A_259 : memref<8192x64xf32, #tpu.memory_space<hbm>>) target(%dma_start3A_253 : memref<128x64xf32, #tpu.memory_space<vmem>>) offsets(%dma_start3A_256 : memref<128xi32, #tpu.memory_space<vmem>>) semaphore(%arg11 : memref<!tpu.dma_semaphore, #tpu.memory_space<semaphore_mem>>)
    %dma_wait3A_260 = arith.constant 2 : i32
    %dma_wait3A_261 = arith.constant 0 : i32
    %dma_wait3A_262 = arith.constant 0 : i32
    %dma_wait3A_263 = arith.constant 0 : i32
    %dma_wait3A_264 = tpu.memref_slice %arg8[%dma_wait3A_261, %dma_wait3A_262, %dma_wait3A_263] : memref<2x128x64xf32, #tpu.memory_space<vmem>> -> memref<1x128x64xf32, #tpu.memory_space<vmem>>
    %dma_wait3A_265 = tpu.memref_squeeze %dma_wait3A_264 : memref<1x128x64xf32, #tpu.memory_space<vmem>> -> memref<128x64xf32, #tpu.memory_space<vmem>>
    %dma_wait3A_266 = arith.constant 0 : i32
    %dma_wait3A_267 = tpu.memref_slice %arg7[%dma_wait3A_260, %dma_wait3A_266] : memref<8x128xi32, #tpu.memory_space<vmem>> -> memref<1x128xi32, #tpu.memory_space<vmem>>
    %dma_wait3A_268 = tpu.memref_squeeze %dma_wait3A_267 : memref<1x128xi32, #tpu.memory_space<vmem>> -> memref<128xi32, #tpu.memory_space<vmem>>
    %dma_wait3A_269 = arith.constant 0 : i32
    %dma_wait3A_270 = arith.constant 0 : i32
    %dma_wait3A_271 = tpu.memref_slice %arg3[%dma_wait3A_269, %dma_wait3A_270] : memref<8192x64xf32, #tpu.memory_space<hbm>> -> memref<8192x64xf32, #tpu.memory_space<hbm>>
    tpu.wait_indirect_dma semaphore(%arg10 : memref<!tpu.dma_semaphore, #tpu.memory_space<semaphore_mem>>) src(%dma_wait3A_271 : memref<8192x64xf32, #tpu.memory_space<hbm>>) dst(%dma_wait3A_265 : memref<128x64xf32, #tpu.memory_space<vmem>>)
    %dma_wait3A_272 = arith.constant 2 : i32
    %dma_wait3A_273 = arith.constant 0 : i32
    %dma_wait3A_274 = arith.constant 0 : i32
    %dma_wait3A_275 = arith.constant 0 : i32
    %dma_wait3A_276 = tpu.memref_slice %arg9[%dma_wait3A_273, %dma_wait3A_274, %dma_wait3A_275] : memref<2x128x64xf32, #tpu.memory_space<vmem>> -> memref<1x128x64xf32, #tpu.memory_space<vmem>>
    %dma_wait3A_277 = tpu.memref_squeeze %dma_wait3A_276 : memref<1x128x64xf32, #tpu.memory_space<vmem>> -> memref<128x64xf32, #tpu.memory_space<vmem>>
    %dma_wait3A_278 = arith.constant 0 : i32
    %dma_wait3A_279 = tpu.memref_slice %arg7[%dma_wait3A_272, %dma_wait3A_278] : memref<8x128xi32, #tpu.memory_space<vmem>> -> memref<1x128xi32, #tpu.memory_space<vmem>>
    %dma_wait3A_280 = tpu.memref_squeeze %dma_wait3A_279 : memref<1x128xi32, #tpu.memory_space<vmem>> -> memref<128xi32, #tpu.memory_space<vmem>>
    %dma_wait3A_281 = arith.constant 0 : i32
    %dma_wait3A_282 = arith.constant 0 : i32
    %dma_wait3A_283 = tpu.memref_slice %arg4[%dma_wait3A_281, %dma_wait3A_282] : memref<8192x64xf32, #tpu.memory_space<hbm>> -> memref<8192x64xf32, #tpu.memory_space<hbm>>
    tpu.wait_indirect_dma semaphore(%arg10 : memref<!tpu.dma_semaphore, #tpu.memory_space<semaphore_mem>>) src(%dma_wait3A_283 : memref<8192x64xf32, #tpu.memory_space<hbm>>) dst(%dma_wait3A_277 : memref<128x64xf32, #tpu.memory_space<vmem>>)
    %add3A_284 = arith.constant 3 : i32
    %add3A_285 = arith.addi %mul3A_2, %add3A_284 : i32
    %sub3A_286 = arith.constant 1 : i32
    %sub3A_287 = arith.subi %add3A_285, %sub3A_286 : i32
    %mul3A_288 = arith.constant 128 : i32
    %mul3A_289 = arith.muli %sub3A_287, %mul3A_288 : i32
    %dma_start3A_290 = arith.constant 0 : i32
    %dma_start3A_291 = arith.constant 0 : i32
    %dma_start3A_292 = arith.constant 0 : i32
    %dma_start3A_293 = tpu.memref_slice %arg8[%dma_start3A_290, %dma_start3A_291, %dma_start3A_292] : memref<2x128x64xf32, #tpu.memory_space<vmem>> -> memref<1x128x64xf32, #tpu.memory_space<vmem>>
    %dma_start3A_294 = tpu.memref_squeeze %dma_start3A_293 : memref<1x128x64xf32, #tpu.memory_space<vmem>> -> memref<128x64xf32, #tpu.memory_space<vmem>>
    %dma_start3A_295 = arith.constant 0 : i32
    %dma_start3A_296 = tpu.memref_slice %arg5[%mul3A_289, %dma_start3A_295] : memref<32768x64xf32, #tpu.memory_space<hbm>> -> memref<128x64xf32, #tpu.memory_space<hbm>>
    %dma_start3A_297 = arith.constant 0 : i32
    %dma_start3A_298 = tpu.memref_slice %arg5[%mul3A_289, %dma_start3A_297] : memref<32768x64xf32, #tpu.memory_space<hbm>> -> memref<128x64xf32, #tpu.memory_space<hbm>>
    %dma_start3A_299 = arith.constant 0 : i32
    %dma_start3A_300 = arith.constant 0 : i32
    %dma_start3A_301 = tpu.memref_slice %arg8[%dma_start3A_290, %dma_start3A_299, %dma_start3A_300] : memref<2x128x64xf32, #tpu.memory_space<vmem>> -> memref<1x128x64xf32, #tpu.memory_space<vmem>>
    %dma_start3A_302 = tpu.memref_squeeze %dma_start3A_301 : memref<1x128x64xf32, #tpu.memory_space<vmem>> -> memref<128x64xf32, #tpu.memory_space<vmem>>
    tpu.enqueue_dma source(%dma_start3A_302 : memref<128x64xf32, #tpu.memory_space<vmem>>) target(%dma_start3A_298 : memref<128x64xf32, #tpu.memory_space<hbm>>) target_semaphore(%arg12 : memref<!tpu.dma_semaphore, #tpu.memory_space<semaphore_mem>>)
    %dma_start3A_303 = arith.constant 0 : i32
    %dma_start3A_304 = arith.constant 0 : i32
    %dma_start3A_305 = arith.constant 0 : i32
    %dma_start3A_306 = tpu.memref_slice %arg9[%dma_start3A_303, %dma_start3A_304, %dma_start3A_305] : memref<2x128x64xf32, #tpu.memory_space<vmem>> -> memref<1x128x64xf32, #tpu.memory_space<vmem>>
    %dma_start3A_307 = tpu.memref_squeeze %dma_start3A_306 : memref<1x128x64xf32, #tpu.memory_space<vmem>> -> memref<128x64xf32, #tpu.memory_space<vmem>>
    %dma_start3A_308 = arith.constant 0 : i32
    %dma_start3A_309 = tpu.memref_slice %arg6[%mul3A_289, %dma_start3A_308] : memref<32768x64xf32, #tpu.memory_space<hbm>> -> memref<128x64xf32, #tpu.memory_space<hbm>>
    %dma_start3A_310 = arith.constant 0 : i32
    %dma_start3A_311 = tpu.memref_slice %arg6[%mul3A_289, %dma_start3A_310] : memref<32768x64xf32, #tpu.memory_space<hbm>> -> memref<128x64xf32, #tpu.memory_space<hbm>>
    %dma_start3A_312 = arith.constant 0 : i32
    %dma_start3A_313 = arith.constant 0 : i32
    %dma_start3A_314 = tpu.memref_slice %arg9[%dma_start3A_303, %dma_start3A_312, %dma_start3A_313] : memref<2x128x64xf32, #tpu.memory_space<vmem>> -> memref<1x128x64xf32, #tpu.memory_space<vmem>>
    %dma_start3A_315 = tpu.memref_squeeze %dma_start3A_314 : memref<1x128x64xf32, #tpu.memory_space<vmem>> -> memref<128x64xf32, #tpu.memory_space<vmem>>
    tpu.enqueue_dma source(%dma_start3A_315 : memref<128x64xf32, #tpu.memory_space<vmem>>) target(%dma_start3A_311 : memref<128x64xf32, #tpu.memory_space<hbm>>) target_semaphore(%arg12 : memref<!tpu.dma_semaphore, #tpu.memory_space<semaphore_mem>>)
    %dma_wait3A_316 = arith.constant 0 : i32
    %dma_wait3A_317 = arith.constant 0 : i32
    %dma_wait3A_318 = arith.constant 0 : i32
    %dma_wait3A_319 = tpu.memref_slice %arg8[%dma_wait3A_316, %dma_wait3A_317, %dma_wait3A_318] : memref<2x128x64xf32, #tpu.memory_space<vmem>> -> memref<1x128x64xf32, #tpu.memory_space<vmem>>
    %dma_wait3A_320 = tpu.memref_squeeze %dma_wait3A_319 : memref<1x128x64xf32, #tpu.memory_space<vmem>> -> memref<128x64xf32, #tpu.memory_space<vmem>>
    %dma_wait3A_321 = arith.constant 0 : i32
    %dma_wait3A_322 = tpu.memref_slice %arg5[%mul3A_289, %dma_wait3A_321] : memref<32768x64xf32, #tpu.memory_space<hbm>> -> memref<128x64xf32, #tpu.memory_space<hbm>>
    %dma_wait3A_323 = arith.constant 0 : i32
    %dma_wait3A_324 = tpu.memref_slice %arg5[%mul3A_289, %dma_wait3A_323] : memref<32768x64xf32, #tpu.memory_space<hbm>> -> memref<128x64xf32, #tpu.memory_space<hbm>>
    %dma_wait3A_325 = arith.constant 0 : i32
    %dma_wait3A_326 = arith.constant 0 : i32
    %dma_wait3A_327 = tpu.memref_slice %arg8[%dma_wait3A_316, %dma_wait3A_325, %dma_wait3A_326] : memref<2x128x64xf32, #tpu.memory_space<vmem>> -> memref<1x128x64xf32, #tpu.memory_space<vmem>>
    %dma_wait3A_328 = tpu.memref_squeeze %dma_wait3A_327 : memref<1x128x64xf32, #tpu.memory_space<vmem>> -> memref<128x64xf32, #tpu.memory_space<vmem>>
    tpu.wait_dma2 semaphore(%arg12 : memref<!tpu.dma_semaphore, #tpu.memory_space<semaphore_mem>>) src(%dma_wait3A_328 : memref<128x64xf32, #tpu.memory_space<vmem>>) dst(%dma_wait3A_324 : memref<128x64xf32, #tpu.memory_space<hbm>>)
    %dma_wait3A_329 = arith.constant 0 : i32
    %dma_wait3A_330 = arith.constant 0 : i32
    %dma_wait3A_331 = arith.constant 0 : i32
    %dma_wait3A_332 = tpu.memref_slice %arg9[%dma_wait3A_329, %dma_wait3A_330, %dma_wait3A_331] : memref<2x128x64xf32, #tpu.memory_space<vmem>> -> memref<1x128x64xf32, #tpu.memory_space<vmem>>
    %dma_wait3A_333 = tpu.memref_squeeze %dma_wait3A_332 : memref<1x128x64xf32, #tpu.memory_space<vmem>> -> memref<128x64xf32, #tpu.memory_space<vmem>>
    %dma_wait3A_334 = arith.constant 0 : i32
    %dma_wait3A_335 = tpu.memref_slice %arg6[%mul3A_289, %dma_wait3A_334] : memref<32768x64xf32, #tpu.memory_space<hbm>> -> memref<128x64xf32, #tpu.memory_space<hbm>>
    %dma_wait3A_336 = arith.constant 0 : i32
    %dma_wait3A_337 = tpu.memref_slice %arg6[%mul3A_289, %dma_wait3A_336] : memref<32768x64xf32, #tpu.memory_space<hbm>> -> memref<128x64xf32, #tpu.memory_space<hbm>>
    %dma_wait3A_338 = arith.constant 0 : i32
    %dma_wait3A_339 = arith.constant 0 : i32
    %dma_wait3A_340 = tpu.memref_slice %arg9[%dma_wait3A_329, %dma_wait3A_338, %dma_wait3A_339] : memref<2x128x64xf32, #tpu.memory_space<vmem>> -> memref<1x128x64xf32, #tpu.memory_space<vmem>>
    %dma_wait3A_341 = tpu.memref_squeeze %dma_wait3A_340 : memref<1x128x64xf32, #tpu.memory_space<vmem>> -> memref<128x64xf32, #tpu.memory_space<vmem>>
    tpu.wait_dma2 semaphore(%arg12 : memref<!tpu.dma_semaphore, #tpu.memory_space<semaphore_mem>>) src(%dma_wait3A_341 : memref<128x64xf32, #tpu.memory_space<vmem>>) dst(%dma_wait3A_337 : memref<128x64xf32, #tpu.memory_space<hbm>>)
    %dma_start3A_342 = arith.constant 4 : i32
    %dma_start3A_343 = arith.constant 0 : i32
    %dma_start3A_344 = arith.constant 0 : i32
    %dma_start3A_345 = arith.constant 0 : i32
    %dma_start3A_346 = tpu.memref_slice %arg8[%dma_start3A_343, %dma_start3A_344, %dma_start3A_345] : memref<2x128x64xf32, #tpu.memory_space<vmem>> -> memref<1x128x64xf32, #tpu.memory_space<vmem>>
    %dma_start3A_347 = tpu.memref_squeeze %dma_start3A_346 : memref<1x128x64xf32, #tpu.memory_space<vmem>> -> memref<128x64xf32, #tpu.memory_space<vmem>>
    %dma_start3A_348 = arith.constant 0 : i32
    %dma_start3A_349 = tpu.memref_slice %arg7[%dma_start3A_342, %dma_start3A_348] : memref<8x128xi32, #tpu.memory_space<vmem>> -> memref<1x128xi32, #tpu.memory_space<vmem>>
    %dma_start3A_350 = tpu.memref_squeeze %dma_start3A_349 : memref<1x128xi32, #tpu.memory_space<vmem>> -> memref<128xi32, #tpu.memory_space<vmem>>
    %dma_start3A_351 = arith.constant 0 : i32
    %dma_start3A_352 = arith.constant 0 : i32
    %dma_start3A_353 = tpu.memref_slice %arg3[%dma_start3A_351, %dma_start3A_352] : memref<8192x64xf32, #tpu.memory_space<hbm>> -> memref<8192x64xf32, #tpu.memory_space<hbm>>
    tpu.enqueue_indirect_dma source(%dma_start3A_353 : memref<8192x64xf32, #tpu.memory_space<hbm>>) target(%dma_start3A_347 : memref<128x64xf32, #tpu.memory_space<vmem>>) offsets(%dma_start3A_350 : memref<128xi32, #tpu.memory_space<vmem>>) semaphore(%arg10 : memref<!tpu.dma_semaphore, #tpu.memory_space<semaphore_mem>>)
    %dma_start3A_354 = arith.constant 4 : i32
    %dma_start3A_355 = arith.constant 0 : i32
    %dma_start3A_356 = arith.constant 0 : i32
    %dma_start3A_357 = arith.constant 0 : i32
    %dma_start3A_358 = tpu.memref_slice %arg9[%dma_start3A_355, %dma_start3A_356, %dma_start3A_357] : memref<2x128x64xf32, #tpu.memory_space<vmem>> -> memref<1x128x64xf32, #tpu.memory_space<vmem>>
    %dma_start3A_359 = tpu.memref_squeeze %dma_start3A_358 : memref<1x128x64xf32, #tpu.memory_space<vmem>> -> memref<128x64xf32, #tpu.memory_space<vmem>>
    %dma_start3A_360 = arith.constant 0 : i32
    %dma_start3A_361 = tpu.memref_slice %arg7[%dma_start3A_354, %dma_start3A_360] : memref<8x128xi32, #tpu.memory_space<vmem>> -> memref<1x128xi32, #tpu.memory_space<vmem>>
    %dma_start3A_362 = tpu.memref_squeeze %dma_start3A_361 : memref<1x128xi32, #tpu.memory_space<vmem>> -> memref<128xi32, #tpu.memory_space<vmem>>
    %dma_start3A_363 = arith.constant 0 : i32
    %dma_start3A_364 = arith.constant 0 : i32
    %dma_start3A_365 = tpu.memref_slice %arg4[%dma_start3A_363, %dma_start3A_364] : memref<8192x64xf32, #tpu.memory_space<hbm>> -> memref<8192x64xf32, #tpu.memory_space<hbm>>
    tpu.enqueue_indirect_dma source(%dma_start3A_365 : memref<8192x64xf32, #tpu.memory_space<hbm>>) target(%dma_start3A_359 : memref<128x64xf32, #tpu.memory_space<vmem>>) offsets(%dma_start3A_362 : memref<128xi32, #tpu.memory_space<vmem>>) semaphore(%arg10 : memref<!tpu.dma_semaphore, #tpu.memory_space<semaphore_mem>>)
    %dma_wait3A_366 = arith.constant 3 : i32
    %dma_wait3A_367 = arith.constant 1 : i32
    %dma_wait3A_368 = arith.constant 0 : i32
    %dma_wait3A_369 = arith.constant 0 : i32
    %dma_wait3A_370 = tpu.memref_slice %arg8[%dma_wait3A_367, %dma_wait3A_368, %dma_wait3A_369] : memref<2x128x64xf32, #tpu.memory_space<vmem>> -> memref<1x128x64xf32, #tpu.memory_space<vmem>>
    %dma_wait3A_371 = tpu.memref_squeeze %dma_wait3A_370 : memref<1x128x64xf32, #tpu.memory_space<vmem>> -> memref<128x64xf32, #tpu.memory_space<vmem>>
    %dma_wait3A_372 = arith.constant 0 : i32
    %dma_wait3A_373 = tpu.memref_slice %arg7[%dma_wait3A_366, %dma_wait3A_372] : memref<8x128xi32, #tpu.memory_space<vmem>> -> memref<1x128xi32, #tpu.memory_space<vmem>>
    %dma_wait3A_374 = tpu.memref_squeeze %dma_wait3A_373 : memref<1x128xi32, #tpu.memory_space<vmem>> -> memref<128xi32, #tpu.memory_space<vmem>>
    %dma_wait3A_375 = arith.constant 0 : i32
    %dma_wait3A_376 = arith.constant 0 : i32
    %dma_wait3A_377 = tpu.memref_slice %arg3[%dma_wait3A_375, %dma_wait3A_376] : memref<8192x64xf32, #tpu.memory_space<hbm>> -> memref<8192x64xf32, #tpu.memory_space<hbm>>
    tpu.wait_indirect_dma semaphore(%arg11 : memref<!tpu.dma_semaphore, #tpu.memory_space<semaphore_mem>>) src(%dma_wait3A_377 : memref<8192x64xf32, #tpu.memory_space<hbm>>) dst(%dma_wait3A_371 : memref<128x64xf32, #tpu.memory_space<vmem>>)
    %dma_wait3A_378 = arith.constant 3 : i32
    %dma_wait3A_379 = arith.constant 1 : i32
    %dma_wait3A_380 = arith.constant 0 : i32
    %dma_wait3A_381 = arith.constant 0 : i32
    %dma_wait3A_382 = tpu.memref_slice %arg9[%dma_wait3A_379, %dma_wait3A_380, %dma_wait3A_381] : memref<2x128x64xf32, #tpu.memory_space<vmem>> -> memref<1x128x64xf32, #tpu.memory_space<vmem>>
    %dma_wait3A_383 = tpu.memref_squeeze %dma_wait3A_382 : memref<1x128x64xf32, #tpu.memory_space<vmem>> -> memref<128x64xf32, #tpu.memory_space<vmem>>
    %dma_wait3A_384 = arith.constant 0 : i32
    %dma_wait3A_385 = tpu.memref_slice %arg7[%dma_wait3A_378, %dma_wait3A_384] : memref<8x128xi32, #tpu.memory_space<vmem>> -> memref<1x128xi32, #tpu.memory_space<vmem>>
    %dma_wait3A_386 = tpu.memref_squeeze %dma_wait3A_385 : memref<1x128xi32, #tpu.memory_space<vmem>> -> memref<128xi32, #tpu.memory_space<vmem>>
    %dma_wait3A_387 = arith.constant 0 : i32
    %dma_wait3A_388 = arith.constant 0 : i32
    %dma_wait3A_389 = tpu.memref_slice %arg4[%dma_wait3A_387, %dma_wait3A_388] : memref<8192x64xf32, #tpu.memory_space<hbm>> -> memref<8192x64xf32, #tpu.memory_space<hbm>>
    tpu.wait_indirect_dma semaphore(%arg11 : memref<!tpu.dma_semaphore, #tpu.memory_space<semaphore_mem>>) src(%dma_wait3A_389 : memref<8192x64xf32, #tpu.memory_space<hbm>>) dst(%dma_wait3A_383 : memref<128x64xf32, #tpu.memory_space<vmem>>)
    %add3A_390 = arith.constant 4 : i32
    %add3A_391 = arith.addi %mul3A_2, %add3A_390 : i32
    %sub3A_392 = arith.constant 1 : i32
    %sub3A_393 = arith.subi %add3A_391, %sub3A_392 : i32
    %mul3A_394 = arith.constant 128 : i32
    %mul3A_395 = arith.muli %sub3A_393, %mul3A_394 : i32
    %dma_start3A_396 = arith.constant 1 : i32
    %dma_start3A_397 = arith.constant 0 : i32
    %dma_start3A_398 = arith.constant 0 : i32
    %dma_start3A_399 = tpu.memref_slice %arg8[%dma_start3A_396, %dma_start3A_397, %dma_start3A_398] : memref<2x128x64xf32, #tpu.memory_space<vmem>> -> memref<1x128x64xf32, #tpu.memory_space<vmem>>
    %dma_start3A_400 = tpu.memref_squeeze %dma_start3A_399 : memref<1x128x64xf32, #tpu.memory_space<vmem>> -> memref<128x64xf32, #tpu.memory_space<vmem>>
    %dma_start3A_401 = arith.constant 0 : i32
    %dma_start3A_402 = tpu.memref_slice %arg5[%mul3A_395, %dma_start3A_401] : memref<32768x64xf32, #tpu.memory_space<hbm>> -> memref<128x64xf32, #tpu.memory_space<hbm>>
    %dma_start3A_403 = arith.constant 0 : i32
    %dma_start3A_404 = tpu.memref_slice %arg5[%mul3A_395, %dma_start3A_403] : memref<32768x64xf32, #tpu.memory_space<hbm>> -> memref<128x64xf32, #tpu.memory_space<hbm>>
    %dma_start3A_405 = arith.constant 0 : i32
    %dma_start3A_406 = arith.constant 0 : i32
    %dma_start3A_407 = tpu.memref_slice %arg8[%dma_start3A_396, %dma_start3A_405, %dma_start3A_406] : memref<2x128x64xf32, #tpu.memory_space<vmem>> -> memref<1x128x64xf32, #tpu.memory_space<vmem>>
    %dma_start3A_408 = tpu.memref_squeeze %dma_start3A_407 : memref<1x128x64xf32, #tpu.memory_space<vmem>> -> memref<128x64xf32, #tpu.memory_space<vmem>>
    tpu.enqueue_dma source(%dma_start3A_408 : memref<128x64xf32, #tpu.memory_space<vmem>>) target(%dma_start3A_404 : memref<128x64xf32, #tpu.memory_space<hbm>>) target_semaphore(%arg13 : memref<!tpu.dma_semaphore, #tpu.memory_space<semaphore_mem>>)
    %dma_start3A_409 = arith.constant 1 : i32
    %dma_start3A_410 = arith.constant 0 : i32
    %dma_start3A_411 = arith.constant 0 : i32
    %dma_start3A_412 = tpu.memref_slice %arg9[%dma_start3A_409, %dma_start3A_410, %dma_start3A_411] : memref<2x128x64xf32, #tpu.memory_space<vmem>> -> memref<1x128x64xf32, #tpu.memory_space<vmem>>
    %dma_start3A_413 = tpu.memref_squeeze %dma_start3A_412 : memref<1x128x64xf32, #tpu.memory_space<vmem>> -> memref<128x64xf32, #tpu.memory_space<vmem>>
    %dma_start3A_414 = arith.constant 0 : i32
    %dma_start3A_415 = tpu.memref_slice %arg6[%mul3A_395, %dma_start3A_414] : memref<32768x64xf32, #tpu.memory_space<hbm>> -> memref<128x64xf32, #tpu.memory_space<hbm>>
    %dma_start3A_416 = arith.constant 0 : i32
    %dma_start3A_417 = tpu.memref_slice %arg6[%mul3A_395, %dma_start3A_416] : memref<32768x64xf32, #tpu.memory_space<hbm>> -> memref<128x64xf32, #tpu.memory_space<hbm>>
    %dma_start3A_418 = arith.constant 0 : i32
    %dma_start3A_419 = arith.constant 0 : i32
    %dma_start3A_420 = tpu.memref_slice %arg9[%dma_start3A_409, %dma_start3A_418, %dma_start3A_419] : memref<2x128x64xf32, #tpu.memory_space<vmem>> -> memref<1x128x64xf32, #tpu.memory_space<vmem>>
    %dma_start3A_421 = tpu.memref_squeeze %dma_start3A_420 : memref<1x128x64xf32, #tpu.memory_space<vmem>> -> memref<128x64xf32, #tpu.memory_space<vmem>>
    tpu.enqueue_dma source(%dma_start3A_421 : memref<128x64xf32, #tpu.memory_space<vmem>>) target(%dma_start3A_417 : memref<128x64xf32, #tpu.memory_space<hbm>>) target_semaphore(%arg13 : memref<!tpu.dma_semaphore, #tpu.memory_space<semaphore_mem>>)
    %dma_wait3A_422 = arith.constant 1 : i32
    %dma_wait3A_423 = arith.constant 0 : i32
    %dma_wait3A_424 = arith.constant 0 : i32
    %dma_wait3A_425 = tpu.memref_slice %arg8[%dma_wait3A_422, %dma_wait3A_423, %dma_wait3A_424] : memref<2x128x64xf32, #tpu.memory_space<vmem>> -> memref<1x128x64xf32, #tpu.memory_space<vmem>>
    %dma_wait3A_426 = tpu.memref_squeeze %dma_wait3A_425 : memref<1x128x64xf32, #tpu.memory_space<vmem>> -> memref<128x64xf32, #tpu.memory_space<vmem>>
    %dma_wait3A_427 = arith.constant 0 : i32
    %dma_wait3A_428 = tpu.memref_slice %arg5[%mul3A_395, %dma_wait3A_427] : memref<32768x64xf32, #tpu.memory_space<hbm>> -> memref<128x64xf32, #tpu.memory_space<hbm>>
    %dma_wait3A_429 = arith.constant 0 : i32
    %dma_wait3A_430 = tpu.memref_slice %arg5[%mul3A_395, %dma_wait3A_429] : memref<32768x64xf32, #tpu.memory_space<hbm>> -> memref<128x64xf32, #tpu.memory_space<hbm>>
    %dma_wait3A_431 = arith.constant 0 : i32
    %dma_wait3A_432 = arith.constant 0 : i32
    %dma_wait3A_433 = tpu.memref_slice %arg8[%dma_wait3A_422, %dma_wait3A_431, %dma_wait3A_432] : memref<2x128x64xf32, #tpu.memory_space<vmem>> -> memref<1x128x64xf32, #tpu.memory_space<vmem>>
    %dma_wait3A_434 = tpu.memref_squeeze %dma_wait3A_433 : memref<1x128x64xf32, #tpu.memory_space<vmem>> -> memref<128x64xf32, #tpu.memory_space<vmem>>
    tpu.wait_dma2 semaphore(%arg13 : memref<!tpu.dma_semaphore, #tpu.memory_space<semaphore_mem>>) src(%dma_wait3A_434 : memref<128x64xf32, #tpu.memory_space<vmem>>) dst(%dma_wait3A_430 : memref<128x64xf32, #tpu.memory_space<hbm>>)
    %dma_wait3A_435 = arith.constant 1 : i32
    %dma_wait3A_436 = arith.constant 0 : i32
    %dma_wait3A_437 = arith.constant 0 : i32
    %dma_wait3A_438 = tpu.memref_slice %arg9[%dma_wait3A_435, %dma_wait3A_436, %dma_wait3A_437] : memref<2x128x64xf32, #tpu.memory_space<vmem>> -> memref<1x128x64xf32, #tpu.memory_space<vmem>>
    %dma_wait3A_439 = tpu.memref_squeeze %dma_wait3A_438 : memref<1x128x64xf32, #tpu.memory_space<vmem>> -> memref<128x64xf32, #tpu.memory_space<vmem>>
    %dma_wait3A_440 = arith.constant 0 : i32
    %dma_wait3A_441 = tpu.memref_slice %arg6[%mul3A_395, %dma_wait3A_440] : memref<32768x64xf32, #tpu.memory_space<hbm>> -> memref<128x64xf32, #tpu.memory_space<hbm>>
    %dma_wait3A_442 = arith.constant 0 : i32
    %dma_wait3A_443 = tpu.memref_slice %arg6[%mul3A_395, %dma_wait3A_442] : memref<32768x64xf32, #tpu.memory_space<hbm>> -> memref<128x64xf32, #tpu.memory_space<hbm>>
    %dma_wait3A_444 = arith.constant 0 : i32
    %dma_wait3A_445 = arith.constant 0 : i32
    %dma_wait3A_446 = tpu.memref_slice %arg9[%dma_wait3A_435, %dma_wait3A_444, %dma_wait3A_445] : memref<2x128x64xf32, #tpu.memory_space<vmem>> -> memref<1x128x64xf32, #tpu.memory_space<vmem>>
    %dma_wait3A_447 = tpu.memref_squeeze %dma_wait3A_446 : memref<1x128x64xf32, #tpu.memory_space<vmem>> -> memref<128x64xf32, #tpu.memory_space<vmem>>
    tpu.wait_dma2 semaphore(%arg13 : memref<!tpu.dma_semaphore, #tpu.memory_space<semaphore_mem>>) src(%dma_wait3A_447 : memref<128x64xf32, #tpu.memory_space<vmem>>) dst(%dma_wait3A_443 : memref<128x64xf32, #tpu.memory_space<hbm>>)
    %dma_start3A_448 = arith.constant 5 : i32
    %dma_start3A_449 = arith.constant 1 : i32
    %dma_start3A_450 = arith.constant 0 : i32
    %dma_start3A_451 = arith.constant 0 : i32
    %dma_start3A_452 = tpu.memref_slice %arg8[%dma_start3A_449, %dma_start3A_450, %dma_start3A_451] : memref<2x128x64xf32, #tpu.memory_space<vmem>> -> memref<1x128x64xf32, #tpu.memory_space<vmem>>
    %dma_start3A_453 = tpu.memref_squeeze %dma_start3A_452 : memref<1x128x64xf32, #tpu.memory_space<vmem>> -> memref<128x64xf32, #tpu.memory_space<vmem>>
    %dma_start3A_454 = arith.constant 0 : i32
    %dma_start3A_455 = tpu.memref_slice %arg7[%dma_start3A_448, %dma_start3A_454] : memref<8x128xi32, #tpu.memory_space<vmem>> -> memref<1x128xi32, #tpu.memory_space<vmem>>
    %dma_start3A_456 = tpu.memref_squeeze %dma_start3A_455 : memref<1x128xi32, #tpu.memory_space<vmem>> -> memref<128xi32, #tpu.memory_space<vmem>>
    %dma_start3A_457 = arith.constant 0 : i32
    %dma_start3A_458 = arith.constant 0 : i32
    %dma_start3A_459 = tpu.memref_slice %arg3[%dma_start3A_457, %dma_start3A_458] : memref<8192x64xf32, #tpu.memory_space<hbm>> -> memref<8192x64xf32, #tpu.memory_space<hbm>>
    tpu.enqueue_indirect_dma source(%dma_start3A_459 : memref<8192x64xf32, #tpu.memory_space<hbm>>) target(%dma_start3A_453 : memref<128x64xf32, #tpu.memory_space<vmem>>) offsets(%dma_start3A_456 : memref<128xi32, #tpu.memory_space<vmem>>) semaphore(%arg11 : memref<!tpu.dma_semaphore, #tpu.memory_space<semaphore_mem>>)
    %dma_start3A_460 = arith.constant 5 : i32
    %dma_start3A_461 = arith.constant 1 : i32
    %dma_start3A_462 = arith.constant 0 : i32
    %dma_start3A_463 = arith.constant 0 : i32
    %dma_start3A_464 = tpu.memref_slice %arg9[%dma_start3A_461, %dma_start3A_462, %dma_start3A_463] : memref<2x128x64xf32, #tpu.memory_space<vmem>> -> memref<1x128x64xf32, #tpu.memory_space<vmem>>
    %dma_start3A_465 = tpu.memref_squeeze %dma_start3A_464 : memref<1x128x64xf32, #tpu.memory_space<vmem>> -> memref<128x64xf32, #tpu.memory_space<vmem>>
    %dma_start3A_466 = arith.constant 0 : i32
    %dma_start3A_467 = tpu.memref_slice %arg7[%dma_start3A_460, %dma_start3A_466] : memref<8x128xi32, #tpu.memory_space<vmem>> -> memref<1x128xi32, #tpu.memory_space<vmem>>
    %dma_start3A_468 = tpu.memref_squeeze %dma_start3A_467 : memref<1x128xi32, #tpu.memory_space<vmem>> -> memref<128xi32, #tpu.memory_space<vmem>>
    %dma_start3A_469 = arith.constant 0 : i32
    %dma_start3A_470 = arith.constant 0 : i32
    %dma_start3A_471 = tpu.memref_slice %arg4[%dma_start3A_469, %dma_start3A_470] : memref<8192x64xf32, #tpu.memory_space<hbm>> -> memref<8192x64xf32, #tpu.memory_space<hbm>>
    tpu.enqueue_indirect_dma source(%dma_start3A_471 : memref<8192x64xf32, #tpu.memory_space<hbm>>) target(%dma_start3A_465 : memref<128x64xf32, #tpu.memory_space<vmem>>) offsets(%dma_start3A_468 : memref<128xi32, #tpu.memory_space<vmem>>) semaphore(%arg11 : memref<!tpu.dma_semaphore, #tpu.memory_space<semaphore_mem>>)
    %dma_wait3A_472 = arith.constant 4 : i32
    %dma_wait3A_473 = arith.constant 0 : i32
    %dma_wait3A_474 = arith.constant 0 : i32
    %dma_wait3A_475 = arith.constant 0 : i32
    %dma_wait3A_476 = tpu.memref_slice %arg8[%dma_wait3A_473, %dma_wait3A_474, %dma_wait3A_475] : memref<2x128x64xf32, #tpu.memory_space<vmem>> -> memref<1x128x64xf32, #tpu.memory_space<vmem>>
    %dma_wait3A_477 = tpu.memref_squeeze %dma_wait3A_476 : memref<1x128x64xf32, #tpu.memory_space<vmem>> -> memref<128x64xf32, #tpu.memory_space<vmem>>
    %dma_wait3A_478 = arith.constant 0 : i32
    %dma_wait3A_479 = tpu.memref_slice %arg7[%dma_wait3A_472, %dma_wait3A_478] : memref<8x128xi32, #tpu.memory_space<vmem>> -> memref<1x128xi32, #tpu.memory_space<vmem>>
    %dma_wait3A_480 = tpu.memref_squeeze %dma_wait3A_479 : memref<1x128xi32, #tpu.memory_space<vmem>> -> memref<128xi32, #tpu.memory_space<vmem>>
    %dma_wait3A_481 = arith.constant 0 : i32
    %dma_wait3A_482 = arith.constant 0 : i32
    %dma_wait3A_483 = tpu.memref_slice %arg3[%dma_wait3A_481, %dma_wait3A_482] : memref<8192x64xf32, #tpu.memory_space<hbm>> -> memref<8192x64xf32, #tpu.memory_space<hbm>>
    tpu.wait_indirect_dma semaphore(%arg10 : memref<!tpu.dma_semaphore, #tpu.memory_space<semaphore_mem>>) src(%dma_wait3A_483 : memref<8192x64xf32, #tpu.memory_space<hbm>>) dst(%dma_wait3A_477 : memref<128x64xf32, #tpu.memory_space<vmem>>)
    %dma_wait3A_484 = arith.constant 4 : i32
    %dma_wait3A_485 = arith.constant 0 : i32
    %dma_wait3A_486 = arith.constant 0 : i32
    %dma_wait3A_487 = arith.constant 0 : i32
    %dma_wait3A_488 = tpu.memref_slice %arg9[%dma_wait3A_485, %dma_wait3A_486, %dma_wait3A_487] : memref<2x128x64xf32, #tpu.memory_space<vmem>> -> memref<1x128x64xf32, #tpu.memory_space<vmem>>
    %dma_wait3A_489 = tpu.memref_squeeze %dma_wait3A_488 : memref<1x128x64xf32, #tpu.memory_space<vmem>> -> memref<128x64xf32, #tpu.memory_space<vmem>>
    %dma_wait3A_490 = arith.constant 0 : i32
    %dma_wait3A_491 = tpu.memref_slice %arg7[%dma_wait3A_484, %dma_wait3A_490] : memref<8x128xi32, #tpu.memory_space<vmem>> -> memref<1x128xi32, #tpu.memory_space<vmem>>
    %dma_wait3A_492 = tpu.memref_squeeze %dma_wait3A_491 : memref<1x128xi32, #tpu.memory_space<vmem>> -> memref<128xi32, #tpu.memory_space<vmem>>
    %dma_wait3A_493 = arith.constant 0 : i32
    %dma_wait3A_494 = arith.constant 0 : i32
    %dma_wait3A_495 = tpu.memref_slice %arg4[%dma_wait3A_493, %dma_wait3A_494] : memref<8192x64xf32, #tpu.memory_space<hbm>> -> memref<8192x64xf32, #tpu.memory_space<hbm>>
    tpu.wait_indirect_dma semaphore(%arg10 : memref<!tpu.dma_semaphore, #tpu.memory_space<semaphore_mem>>) src(%dma_wait3A_495 : memref<8192x64xf32, #tpu.memory_space<hbm>>) dst(%dma_wait3A_489 : memref<128x64xf32, #tpu.memory_space<vmem>>)
    %add3A_496 = arith.constant 5 : i32
    %add3A_497 = arith.addi %mul3A_2, %add3A_496 : i32
    %sub3A_498 = arith.constant 1 : i32
    %sub3A_499 = arith.subi %add3A_497, %sub3A_498 : i32
    %mul3A_500 = arith.constant 128 : i32
    %mul3A_501 = arith.muli %sub3A_499, %mul3A_500 : i32
    %dma_start3A_502 = arith.constant 0 : i32
    %dma_start3A_503 = arith.constant 0 : i32
    %dma_start3A_504 = arith.constant 0 : i32
    %dma_start3A_505 = tpu.memref_slice %arg8[%dma_start3A_502, %dma_start3A_503, %dma_start3A_504] : memref<2x128x64xf32, #tpu.memory_space<vmem>> -> memref<1x128x64xf32, #tpu.memory_space<vmem>>
    %dma_start3A_506 = tpu.memref_squeeze %dma_start3A_505 : memref<1x128x64xf32, #tpu.memory_space<vmem>> -> memref<128x64xf32, #tpu.memory_space<vmem>>
    %dma_start3A_507 = arith.constant 0 : i32
    %dma_start3A_508 = tpu.memref_slice %arg5[%mul3A_501, %dma_start3A_507] : memref<32768x64xf32, #tpu.memory_space<hbm>> -> memref<128x64xf32, #tpu.memory_space<hbm>>
    %dma_start3A_509 = arith.constant 0 : i32
    %dma_start3A_510 = tpu.memref_slice %arg5[%mul3A_501, %dma_start3A_509] : memref<32768x64xf32, #tpu.memory_space<hbm>> -> memref<128x64xf32, #tpu.memory_space<hbm>>
    %dma_start3A_511 = arith.constant 0 : i32
    %dma_start3A_512 = arith.constant 0 : i32
    %dma_start3A_513 = tpu.memref_slice %arg8[%dma_start3A_502, %dma_start3A_511, %dma_start3A_512] : memref<2x128x64xf32, #tpu.memory_space<vmem>> -> memref<1x128x64xf32, #tpu.memory_space<vmem>>
    %dma_start3A_514 = tpu.memref_squeeze %dma_start3A_513 : memref<1x128x64xf32, #tpu.memory_space<vmem>> -> memref<128x64xf32, #tpu.memory_space<vmem>>
    tpu.enqueue_dma source(%dma_start3A_514 : memref<128x64xf32, #tpu.memory_space<vmem>>) target(%dma_start3A_510 : memref<128x64xf32, #tpu.memory_space<hbm>>) target_semaphore(%arg12 : memref<!tpu.dma_semaphore, #tpu.memory_space<semaphore_mem>>)
    %dma_start3A_515 = arith.constant 0 : i32
    %dma_start3A_516 = arith.constant 0 : i32
    %dma_start3A_517 = arith.constant 0 : i32
    %dma_start3A_518 = tpu.memref_slice %arg9[%dma_start3A_515, %dma_start3A_516, %dma_start3A_517] : memref<2x128x64xf32, #tpu.memory_space<vmem>> -> memref<1x128x64xf32, #tpu.memory_space<vmem>>
    %dma_start3A_519 = tpu.memref_squeeze %dma_start3A_518 : memref<1x128x64xf32, #tpu.memory_space<vmem>> -> memref<128x64xf32, #tpu.memory_space<vmem>>
    %dma_start3A_520 = arith.constant 0 : i32
    %dma_start3A_521 = tpu.memref_slice %arg6[%mul3A_501, %dma_start3A_520] : memref<32768x64xf32, #tpu.memory_space<hbm>> -> memref<128x64xf32, #tpu.memory_space<hbm>>
    %dma_start3A_522 = arith.constant 0 : i32
    %dma_start3A_523 = tpu.memref_slice %arg6[%mul3A_501, %dma_start3A_522] : memref<32768x64xf32, #tpu.memory_space<hbm>> -> memref<128x64xf32, #tpu.memory_space<hbm>>
    %dma_start3A_524 = arith.constant 0 : i32
    %dma_start3A_525 = arith.constant 0 : i32
    %dma_start3A_526 = tpu.memref_slice %arg9[%dma_start3A_515, %dma_start3A_524, %dma_start3A_525] : memref<2x128x64xf32, #tpu.memory_space<vmem>> -> memref<1x128x64xf32, #tpu.memory_space<vmem>>
    %dma_start3A_527 = tpu.memref_squeeze %dma_start3A_526 : memref<1x128x64xf32, #tpu.memory_space<vmem>> -> memref<128x64xf32, #tpu.memory_space<vmem>>
    tpu.enqueue_dma source(%dma_start3A_527 : memref<128x64xf32, #tpu.memory_space<vmem>>) target(%dma_start3A_523 : memref<128x64xf32, #tpu.memory_space<hbm>>) target_semaphore(%arg12 : memref<!tpu.dma_semaphore, #tpu.memory_space<semaphore_mem>>)
    %dma_wait3A_528 = arith.constant 0 : i32
    %dma_wait3A_529 = arith.constant 0 : i32
    %dma_wait3A_530 = arith.constant 0 : i32
    %dma_wait3A_531 = tpu.memref_slice %arg8[%dma_wait3A_528, %dma_wait3A_529, %dma_wait3A_530] : memref<2x128x64xf32, #tpu.memory_space<vmem>> -> memref<1x128x64xf32, #tpu.memory_space<vmem>>
    %dma_wait3A_532 = tpu.memref_squeeze %dma_wait3A_531 : memref<1x128x64xf32, #tpu.memory_space<vmem>> -> memref<128x64xf32, #tpu.memory_space<vmem>>
    %dma_wait3A_533 = arith.constant 0 : i32
    %dma_wait3A_534 = tpu.memref_slice %arg5[%mul3A_501, %dma_wait3A_533] : memref<32768x64xf32, #tpu.memory_space<hbm>> -> memref<128x64xf32, #tpu.memory_space<hbm>>
    %dma_wait3A_535 = arith.constant 0 : i32
    %dma_wait3A_536 = tpu.memref_slice %arg5[%mul3A_501, %dma_wait3A_535] : memref<32768x64xf32, #tpu.memory_space<hbm>> -> memref<128x64xf32, #tpu.memory_space<hbm>>
    %dma_wait3A_537 = arith.constant 0 : i32
    %dma_wait3A_538 = arith.constant 0 : i32
    %dma_wait3A_539 = tpu.memref_slice %arg8[%dma_wait3A_528, %dma_wait3A_537, %dma_wait3A_538] : memref<2x128x64xf32, #tpu.memory_space<vmem>> -> memref<1x128x64xf32, #tpu.memory_space<vmem>>
    %dma_wait3A_540 = tpu.memref_squeeze %dma_wait3A_539 : memref<1x128x64xf32, #tpu.memory_space<vmem>> -> memref<128x64xf32, #tpu.memory_space<vmem>>
    tpu.wait_dma2 semaphore(%arg12 : memref<!tpu.dma_semaphore, #tpu.memory_space<semaphore_mem>>) src(%dma_wait3A_540 : memref<128x64xf32, #tpu.memory_space<vmem>>) dst(%dma_wait3A_536 : memref<128x64xf32, #tpu.memory_space<hbm>>)
    %dma_wait3A_541 = arith.constant 0 : i32
    %dma_wait3A_542 = arith.constant 0 : i32
    %dma_wait3A_543 = arith.constant 0 : i32
    %dma_wait3A_544 = tpu.memref_slice %arg9[%dma_wait3A_541, %dma_wait3A_542, %dma_wait3A_543] : memref<2x128x64xf32, #tpu.memory_space<vmem>> -> memref<1x128x64xf32, #tpu.memory_space<vmem>>
    %dma_wait3A_545 = tpu.memref_squeeze %dma_wait3A_544 : memref<1x128x64xf32, #tpu.memory_space<vmem>> -> memref<128x64xf32, #tpu.memory_space<vmem>>
    %dma_wait3A_546 = arith.constant 0 : i32
    %dma_wait3A_547 = tpu.memref_slice %arg6[%mul3A_501, %dma_wait3A_546] : memref<32768x64xf32, #tpu.memory_space<hbm>> -> memref<128x64xf32, #tpu.memory_space<hbm>>
    %dma_wait3A_548 = arith.constant 0 : i32
    %dma_wait3A_549 = tpu.memref_slice %arg6[%mul3A_501, %dma_wait3A_548] : memref<32768x64xf32, #tpu.memory_space<hbm>> -> memref<128x64xf32, #tpu.memory_space<hbm>>
    %dma_wait3A_550 = arith.constant 0 : i32
    %dma_wait3A_551 = arith.constant 0 : i32
    %dma_wait3A_552 = tpu.memref_slice %arg9[%dma_wait3A_541, %dma_wait3A_550, %dma_wait3A_551] : memref<2x128x64xf32, #tpu.memory_space<vmem>> -> memref<1x128x64xf32, #tpu.memory_space<vmem>>
    %dma_wait3A_553 = tpu.memref_squeeze %dma_wait3A_552 : memref<1x128x64xf32, #tpu.memory_space<vmem>> -> memref<128x64xf32, #tpu.memory_space<vmem>>
    tpu.wait_dma2 semaphore(%arg12 : memref<!tpu.dma_semaphore, #tpu.memory_space<semaphore_mem>>) src(%dma_wait3A_553 : memref<128x64xf32, #tpu.memory_space<vmem>>) dst(%dma_wait3A_549 : memref<128x64xf32, #tpu.memory_space<hbm>>)
    %dma_start3A_554 = arith.constant 6 : i32
    %dma_start3A_555 = arith.constant 0 : i32
    %dma_start3A_556 = arith.constant 0 : i32
    %dma_start3A_557 = arith.constant 0 : i32
    %dma_start3A_558 = tpu.memref_slice %arg8[%dma_start3A_555, %dma_start3A_556, %dma_start3A_557] : memref<2x128x64xf32, #tpu.memory_space<vmem>> -> memref<1x128x64xf32, #tpu.memory_space<vmem>>
    %dma_start3A_559 = tpu.memref_squeeze %dma_start3A_558 : memref<1x128x64xf32, #tpu.memory_space<vmem>> -> memref<128x64xf32, #tpu.memory_space<vmem>>
    %dma_start3A_560 = arith.constant 0 : i32
    %dma_start3A_561 = tpu.memref_slice %arg7[%dma_start3A_554, %dma_start3A_560] : memref<8x128xi32, #tpu.memory_space<vmem>> -> memref<1x128xi32, #tpu.memory_space<vmem>>
    %dma_start3A_562 = tpu.memref_squeeze %dma_start3A_561 : memref<1x128xi32, #tpu.memory_space<vmem>> -> memref<128xi32, #tpu.memory_space<vmem>>
    %dma_start3A_563 = arith.constant 0 : i32
    %dma_start3A_564 = arith.constant 0 : i32
    %dma_start3A_565 = tpu.memref_slice %arg3[%dma_start3A_563, %dma_start3A_564] : memref<8192x64xf32, #tpu.memory_space<hbm>> -> memref<8192x64xf32, #tpu.memory_space<hbm>>
    tpu.enqueue_indirect_dma source(%dma_start3A_565 : memref<8192x64xf32, #tpu.memory_space<hbm>>) target(%dma_start3A_559 : memref<128x64xf32, #tpu.memory_space<vmem>>) offsets(%dma_start3A_562 : memref<128xi32, #tpu.memory_space<vmem>>) semaphore(%arg10 : memref<!tpu.dma_semaphore, #tpu.memory_space<semaphore_mem>>)
    %dma_start3A_566 = arith.constant 6 : i32
    %dma_start3A_567 = arith.constant 0 : i32
    %dma_start3A_568 = arith.constant 0 : i32
    %dma_start3A_569 = arith.constant 0 : i32
    %dma_start3A_570 = tpu.memref_slice %arg9[%dma_start3A_567, %dma_start3A_568, %dma_start3A_569] : memref<2x128x64xf32, #tpu.memory_space<vmem>> -> memref<1x128x64xf32, #tpu.memory_space<vmem>>
    %dma_start3A_571 = tpu.memref_squeeze %dma_start3A_570 : memref<1x128x64xf32, #tpu.memory_space<vmem>> -> memref<128x64xf32, #tpu.memory_space<vmem>>
    %dma_start3A_572 = arith.constant 0 : i32
    %dma_start3A_573 = tpu.memref_slice %arg7[%dma_start3A_566, %dma_start3A_572] : memref<8x128xi32, #tpu.memory_space<vmem>> -> memref<1x128xi32, #tpu.memory_space<vmem>>
    %dma_start3A_574 = tpu.memref_squeeze %dma_start3A_573 : memref<1x128xi32, #tpu.memory_space<vmem>> -> memref<128xi32, #tpu.memory_space<vmem>>
    %dma_start3A_575 = arith.constant 0 : i32
    %dma_start3A_576 = arith.constant 0 : i32
    %dma_start3A_577 = tpu.memref_slice %arg4[%dma_start3A_575, %dma_start3A_576] : memref<8192x64xf32, #tpu.memory_space<hbm>> -> memref<8192x64xf32, #tpu.memory_space<hbm>>
    tpu.enqueue_indirect_dma source(%dma_start3A_577 : memref<8192x64xf32, #tpu.memory_space<hbm>>) target(%dma_start3A_571 : memref<128x64xf32, #tpu.memory_space<vmem>>) offsets(%dma_start3A_574 : memref<128xi32, #tpu.memory_space<vmem>>) semaphore(%arg10 : memref<!tpu.dma_semaphore, #tpu.memory_space<semaphore_mem>>)
    %dma_wait3A_578 = arith.constant 5 : i32
    %dma_wait3A_579 = arith.constant 1 : i32
    %dma_wait3A_580 = arith.constant 0 : i32
    %dma_wait3A_581 = arith.constant 0 : i32
    %dma_wait3A_582 = tpu.memref_slice %arg8[%dma_wait3A_579, %dma_wait3A_580, %dma_wait3A_581] : memref<2x128x64xf32, #tpu.memory_space<vmem>> -> memref<1x128x64xf32, #tpu.memory_space<vmem>>
    %dma_wait3A_583 = tpu.memref_squeeze %dma_wait3A_582 : memref<1x128x64xf32, #tpu.memory_space<vmem>> -> memref<128x64xf32, #tpu.memory_space<vmem>>
    %dma_wait3A_584 = arith.constant 0 : i32
    %dma_wait3A_585 = tpu.memref_slice %arg7[%dma_wait3A_578, %dma_wait3A_584] : memref<8x128xi32, #tpu.memory_space<vmem>> -> memref<1x128xi32, #tpu.memory_space<vmem>>
    %dma_wait3A_586 = tpu.memref_squeeze %dma_wait3A_585 : memref<1x128xi32, #tpu.memory_space<vmem>> -> memref<128xi32, #tpu.memory_space<vmem>>
    %dma_wait3A_587 = arith.constant 0 : i32
    %dma_wait3A_588 = arith.constant 0 : i32
    %dma_wait3A_589 = tpu.memref_slice %arg3[%dma_wait3A_587, %dma_wait3A_588] : memref<8192x64xf32, #tpu.memory_space<hbm>> -> memref<8192x64xf32, #tpu.memory_space<hbm>>
    tpu.wait_indirect_dma semaphore(%arg11 : memref<!tpu.dma_semaphore, #tpu.memory_space<semaphore_mem>>) src(%dma_wait3A_589 : memref<8192x64xf32, #tpu.memory_space<hbm>>) dst(%dma_wait3A_583 : memref<128x64xf32, #tpu.memory_space<vmem>>)
    %dma_wait3A_590 = arith.constant 5 : i32
    %dma_wait3A_591 = arith.constant 1 : i32
    %dma_wait3A_592 = arith.constant 0 : i32
    %dma_wait3A_593 = arith.constant 0 : i32
    %dma_wait3A_594 = tpu.memref_slice %arg9[%dma_wait3A_591, %dma_wait3A_592, %dma_wait3A_593] : memref<2x128x64xf32, #tpu.memory_space<vmem>> -> memref<1x128x64xf32, #tpu.memory_space<vmem>>
    %dma_wait3A_595 = tpu.memref_squeeze %dma_wait3A_594 : memref<1x128x64xf32, #tpu.memory_space<vmem>> -> memref<128x64xf32, #tpu.memory_space<vmem>>
    %dma_wait3A_596 = arith.constant 0 : i32
    %dma_wait3A_597 = tpu.memref_slice %arg7[%dma_wait3A_590, %dma_wait3A_596] : memref<8x128xi32, #tpu.memory_space<vmem>> -> memref<1x128xi32, #tpu.memory_space<vmem>>
    %dma_wait3A_598 = tpu.memref_squeeze %dma_wait3A_597 : memref<1x128xi32, #tpu.memory_space<vmem>> -> memref<128xi32, #tpu.memory_space<vmem>>
    %dma_wait3A_599 = arith.constant 0 : i32
    %dma_wait3A_600 = arith.constant 0 : i32
    %dma_wait3A_601 = tpu.memref_slice %arg4[%dma_wait3A_599, %dma_wait3A_600] : memref<8192x64xf32, #tpu.memory_space<hbm>> -> memref<8192x64xf32, #tpu.memory_space<hbm>>
    tpu.wait_indirect_dma semaphore(%arg11 : memref<!tpu.dma_semaphore, #tpu.memory_space<semaphore_mem>>) src(%dma_wait3A_601 : memref<8192x64xf32, #tpu.memory_space<hbm>>) dst(%dma_wait3A_595 : memref<128x64xf32, #tpu.memory_space<vmem>>)
    %add3A_602 = arith.constant 6 : i32
    %add3A_603 = arith.addi %mul3A_2, %add3A_602 : i32
    %sub3A_604 = arith.constant 1 : i32
    %sub3A_605 = arith.subi %add3A_603, %sub3A_604 : i32
    %mul3A_606 = arith.constant 128 : i32
    %mul3A_607 = arith.muli %sub3A_605, %mul3A_606 : i32
    %dma_start3A_608 = arith.constant 1 : i32
    %dma_start3A_609 = arith.constant 0 : i32
    %dma_start3A_610 = arith.constant 0 : i32
    %dma_start3A_611 = tpu.memref_slice %arg8[%dma_start3A_608, %dma_start3A_609, %dma_start3A_610] : memref<2x128x64xf32, #tpu.memory_space<vmem>> -> memref<1x128x64xf32, #tpu.memory_space<vmem>>
    %dma_start3A_612 = tpu.memref_squeeze %dma_start3A_611 : memref<1x128x64xf32, #tpu.memory_space<vmem>> -> memref<128x64xf32, #tpu.memory_space<vmem>>
    %dma_start3A_613 = arith.constant 0 : i32
    %dma_start3A_614 = tpu.memref_slice %arg5[%mul3A_607, %dma_start3A_613] : memref<32768x64xf32, #tpu.memory_space<hbm>> -> memref<128x64xf32, #tpu.memory_space<hbm>>
    %dma_start3A_615 = arith.constant 0 : i32
    %dma_start3A_616 = tpu.memref_slice %arg5[%mul3A_607, %dma_start3A_615] : memref<32768x64xf32, #tpu.memory_space<hbm>> -> memref<128x64xf32, #tpu.memory_space<hbm>>
    %dma_start3A_617 = arith.constant 0 : i32
    %dma_start3A_618 = arith.constant 0 : i32
    %dma_start3A_619 = tpu.memref_slice %arg8[%dma_start3A_608, %dma_start3A_617, %dma_start3A_618] : memref<2x128x64xf32, #tpu.memory_space<vmem>> -> memref<1x128x64xf32, #tpu.memory_space<vmem>>
    %dma_start3A_620 = tpu.memref_squeeze %dma_start3A_619 : memref<1x128x64xf32, #tpu.memory_space<vmem>> -> memref<128x64xf32, #tpu.memory_space<vmem>>
    tpu.enqueue_dma source(%dma_start3A_620 : memref<128x64xf32, #tpu.memory_space<vmem>>) target(%dma_start3A_616 : memref<128x64xf32, #tpu.memory_space<hbm>>) target_semaphore(%arg13 : memref<!tpu.dma_semaphore, #tpu.memory_space<semaphore_mem>>)
    %dma_start3A_621 = arith.constant 1 : i32
    %dma_start3A_622 = arith.constant 0 : i32
    %dma_start3A_623 = arith.constant 0 : i32
    %dma_start3A_624 = tpu.memref_slice %arg9[%dma_start3A_621, %dma_start3A_622, %dma_start3A_623] : memref<2x128x64xf32, #tpu.memory_space<vmem>> -> memref<1x128x64xf32, #tpu.memory_space<vmem>>
    %dma_start3A_625 = tpu.memref_squeeze %dma_start3A_624 : memref<1x128x64xf32, #tpu.memory_space<vmem>> -> memref<128x64xf32, #tpu.memory_space<vmem>>
    %dma_start3A_626 = arith.constant 0 : i32
    %dma_start3A_627 = tpu.memref_slice %arg6[%mul3A_607, %dma_start3A_626] : memref<32768x64xf32, #tpu.memory_space<hbm>> -> memref<128x64xf32, #tpu.memory_space<hbm>>
    %dma_start3A_628 = arith.constant 0 : i32
    %dma_start3A_629 = tpu.memref_slice %arg6[%mul3A_607, %dma_start3A_628] : memref<32768x64xf32, #tpu.memory_space<hbm>> -> memref<128x64xf32, #tpu.memory_space<hbm>>
    %dma_start3A_630 = arith.constant 0 : i32
    %dma_start3A_631 = arith.constant 0 : i32
    %dma_start3A_632 = tpu.memref_slice %arg9[%dma_start3A_621, %dma_start3A_630, %dma_start3A_631] : memref<2x128x64xf32, #tpu.memory_space<vmem>> -> memref<1x128x64xf32, #tpu.memory_space<vmem>>
    %dma_start3A_633 = tpu.memref_squeeze %dma_start3A_632 : memref<1x128x64xf32, #tpu.memory_space<vmem>> -> memref<128x64xf32, #tpu.memory_space<vmem>>
    tpu.enqueue_dma source(%dma_start3A_633 : memref<128x64xf32, #tpu.memory_space<vmem>>) target(%dma_start3A_629 : memref<128x64xf32, #tpu.memory_space<hbm>>) target_semaphore(%arg13 : memref<!tpu.dma_semaphore, #tpu.memory_space<semaphore_mem>>)
    %dma_wait3A_634 = arith.constant 1 : i32
    %dma_wait3A_635 = arith.constant 0 : i32
    %dma_wait3A_636 = arith.constant 0 : i32
    %dma_wait3A_637 = tpu.memref_slice %arg8[%dma_wait3A_634, %dma_wait3A_635, %dma_wait3A_636] : memref<2x128x64xf32, #tpu.memory_space<vmem>> -> memref<1x128x64xf32, #tpu.memory_space<vmem>>
    %dma_wait3A_638 = tpu.memref_squeeze %dma_wait3A_637 : memref<1x128x64xf32, #tpu.memory_space<vmem>> -> memref<128x64xf32, #tpu.memory_space<vmem>>
    %dma_wait3A_639 = arith.constant 0 : i32
    %dma_wait3A_640 = tpu.memref_slice %arg5[%mul3A_607, %dma_wait3A_639] : memref<32768x64xf32, #tpu.memory_space<hbm>> -> memref<128x64xf32, #tpu.memory_space<hbm>>
    %dma_wait3A_641 = arith.constant 0 : i32
    %dma_wait3A_642 = tpu.memref_slice %arg5[%mul3A_607, %dma_wait3A_641] : memref<32768x64xf32, #tpu.memory_space<hbm>> -> memref<128x64xf32, #tpu.memory_space<hbm>>
    %dma_wait3A_643 = arith.constant 0 : i32
    %dma_wait3A_644 = arith.constant 0 : i32
    %dma_wait3A_645 = tpu.memref_slice %arg8[%dma_wait3A_634, %dma_wait3A_643, %dma_wait3A_644] : memref<2x128x64xf32, #tpu.memory_space<vmem>> -> memref<1x128x64xf32, #tpu.memory_space<vmem>>
    %dma_wait3A_646 = tpu.memref_squeeze %dma_wait3A_645 : memref<1x128x64xf32, #tpu.memory_space<vmem>> -> memref<128x64xf32, #tpu.memory_space<vmem>>
    tpu.wait_dma2 semaphore(%arg13 : memref<!tpu.dma_semaphore, #tpu.memory_space<semaphore_mem>>) src(%dma_wait3A_646 : memref<128x64xf32, #tpu.memory_space<vmem>>) dst(%dma_wait3A_642 : memref<128x64xf32, #tpu.memory_space<hbm>>)
    %dma_wait3A_647 = arith.constant 1 : i32
    %dma_wait3A_648 = arith.constant 0 : i32
    %dma_wait3A_649 = arith.constant 0 : i32
    %dma_wait3A_650 = tpu.memref_slice %arg9[%dma_wait3A_647, %dma_wait3A_648, %dma_wait3A_649] : memref<2x128x64xf32, #tpu.memory_space<vmem>> -> memref<1x128x64xf32, #tpu.memory_space<vmem>>
    %dma_wait3A_651 = tpu.memref_squeeze %dma_wait3A_650 : memref<1x128x64xf32, #tpu.memory_space<vmem>> -> memref<128x64xf32, #tpu.memory_space<vmem>>
    %dma_wait3A_652 = arith.constant 0 : i32
    %dma_wait3A_653 = tpu.memref_slice %arg6[%mul3A_607, %dma_wait3A_652] : memref<32768x64xf32, #tpu.memory_space<hbm>> -> memref<128x64xf32, #tpu.memory_space<hbm>>
    %dma_wait3A_654 = arith.constant 0 : i32
    %dma_wait3A_655 = tpu.memref_slice %arg6[%mul3A_607, %dma_wait3A_654] : memref<32768x64xf32, #tpu.memory_space<hbm>> -> memref<128x64xf32, #tpu.memory_space<hbm>>
    %dma_wait3A_656 = arith.constant 0 : i32
    %dma_wait3A_657 = arith.constant 0 : i32
    %dma_wait3A_658 = tpu.memref_slice %arg9[%dma_wait3A_647, %dma_wait3A_656, %dma_wait3A_657] : memref<2x128x64xf32, #tpu.memory_space<vmem>> -> memref<1x128x64xf32, #tpu.memory_space<vmem>>
    %dma_wait3A_659 = tpu.memref_squeeze %dma_wait3A_658 : memref<1x128x64xf32, #tpu.memory_space<vmem>> -> memref<128x64xf32, #tpu.memory_space<vmem>>
    tpu.wait_dma2 semaphore(%arg13 : memref<!tpu.dma_semaphore, #tpu.memory_space<semaphore_mem>>) src(%dma_wait3A_659 : memref<128x64xf32, #tpu.memory_space<vmem>>) dst(%dma_wait3A_655 : memref<128x64xf32, #tpu.memory_space<hbm>>)
    %dma_start3A_660 = arith.constant 7 : i32
    %dma_start3A_661 = arith.constant 1 : i32
    %dma_start3A_662 = arith.constant 0 : i32
    %dma_start3A_663 = arith.constant 0 : i32
    %dma_start3A_664 = tpu.memref_slice %arg8[%dma_start3A_661, %dma_start3A_662, %dma_start3A_663] : memref<2x128x64xf32, #tpu.memory_space<vmem>> -> memref<1x128x64xf32, #tpu.memory_space<vmem>>
    %dma_start3A_665 = tpu.memref_squeeze %dma_start3A_664 : memref<1x128x64xf32, #tpu.memory_space<vmem>> -> memref<128x64xf32, #tpu.memory_space<vmem>>
    %dma_start3A_666 = arith.constant 0 : i32
    %dma_start3A_667 = tpu.memref_slice %arg7[%dma_start3A_660, %dma_start3A_666] : memref<8x128xi32, #tpu.memory_space<vmem>> -> memref<1x128xi32, #tpu.memory_space<vmem>>
    %dma_start3A_668 = tpu.memref_squeeze %dma_start3A_667 : memref<1x128xi32, #tpu.memory_space<vmem>> -> memref<128xi32, #tpu.memory_space<vmem>>
    %dma_start3A_669 = arith.constant 0 : i32
    %dma_start3A_670 = arith.constant 0 : i32
    %dma_start3A_671 = tpu.memref_slice %arg3[%dma_start3A_669, %dma_start3A_670] : memref<8192x64xf32, #tpu.memory_space<hbm>> -> memref<8192x64xf32, #tpu.memory_space<hbm>>
    tpu.enqueue_indirect_dma source(%dma_start3A_671 : memref<8192x64xf32, #tpu.memory_space<hbm>>) target(%dma_start3A_665 : memref<128x64xf32, #tpu.memory_space<vmem>>) offsets(%dma_start3A_668 : memref<128xi32, #tpu.memory_space<vmem>>) semaphore(%arg11 : memref<!tpu.dma_semaphore, #tpu.memory_space<semaphore_mem>>)
    %dma_start3A_672 = arith.constant 7 : i32
    %dma_start3A_673 = arith.constant 1 : i32
    %dma_start3A_674 = arith.constant 0 : i32
    %dma_start3A_675 = arith.constant 0 : i32
    %dma_start3A_676 = tpu.memref_slice %arg9[%dma_start3A_673, %dma_start3A_674, %dma_start3A_675] : memref<2x128x64xf32, #tpu.memory_space<vmem>> -> memref<1x128x64xf32, #tpu.memory_space<vmem>>
    %dma_start3A_677 = tpu.memref_squeeze %dma_start3A_676 : memref<1x128x64xf32, #tpu.memory_space<vmem>> -> memref<128x64xf32, #tpu.memory_space<vmem>>
    %dma_start3A_678 = arith.constant 0 : i32
    %dma_start3A_679 = tpu.memref_slice %arg7[%dma_start3A_672, %dma_start3A_678] : memref<8x128xi32, #tpu.memory_space<vmem>> -> memref<1x128xi32, #tpu.memory_space<vmem>>
    %dma_start3A_680 = tpu.memref_squeeze %dma_start3A_679 : memref<1x128xi32, #tpu.memory_space<vmem>> -> memref<128xi32, #tpu.memory_space<vmem>>
    %dma_start3A_681 = arith.constant 0 : i32
    %dma_start3A_682 = arith.constant 0 : i32
    %dma_start3A_683 = tpu.memref_slice %arg4[%dma_start3A_681, %dma_start3A_682] : memref<8192x64xf32, #tpu.memory_space<hbm>> -> memref<8192x64xf32, #tpu.memory_space<hbm>>
    tpu.enqueue_indirect_dma source(%dma_start3A_683 : memref<8192x64xf32, #tpu.memory_space<hbm>>) target(%dma_start3A_677 : memref<128x64xf32, #tpu.memory_space<vmem>>) offsets(%dma_start3A_680 : memref<128xi32, #tpu.memory_space<vmem>>) semaphore(%arg11 : memref<!tpu.dma_semaphore, #tpu.memory_space<semaphore_mem>>)
    %dma_wait3A_684 = arith.constant 6 : i32
    %dma_wait3A_685 = arith.constant 0 : i32
    %dma_wait3A_686 = arith.constant 0 : i32
    %dma_wait3A_687 = arith.constant 0 : i32
    %dma_wait3A_688 = tpu.memref_slice %arg8[%dma_wait3A_685, %dma_wait3A_686, %dma_wait3A_687] : memref<2x128x64xf32, #tpu.memory_space<vmem>> -> memref<1x128x64xf32, #tpu.memory_space<vmem>>
    %dma_wait3A_689 = tpu.memref_squeeze %dma_wait3A_688 : memref<1x128x64xf32, #tpu.memory_space<vmem>> -> memref<128x64xf32, #tpu.memory_space<vmem>>
    %dma_wait3A_690 = arith.constant 0 : i32
    %dma_wait3A_691 = tpu.memref_slice %arg7[%dma_wait3A_684, %dma_wait3A_690] : memref<8x128xi32, #tpu.memory_space<vmem>> -> memref<1x128xi32, #tpu.memory_space<vmem>>
    %dma_wait3A_692 = tpu.memref_squeeze %dma_wait3A_691 : memref<1x128xi32, #tpu.memory_space<vmem>> -> memref<128xi32, #tpu.memory_space<vmem>>
    %dma_wait3A_693 = arith.constant 0 : i32
    %dma_wait3A_694 = arith.constant 0 : i32
    %dma_wait3A_695 = tpu.memref_slice %arg3[%dma_wait3A_693, %dma_wait3A_694] : memref<8192x64xf32, #tpu.memory_space<hbm>> -> memref<8192x64xf32, #tpu.memory_space<hbm>>
    tpu.wait_indirect_dma semaphore(%arg10 : memref<!tpu.dma_semaphore, #tpu.memory_space<semaphore_mem>>) src(%dma_wait3A_695 : memref<8192x64xf32, #tpu.memory_space<hbm>>) dst(%dma_wait3A_689 : memref<128x64xf32, #tpu.memory_space<vmem>>)
    %dma_wait3A_696 = arith.constant 6 : i32
    %dma_wait3A_697 = arith.constant 0 : i32
    %dma_wait3A_698 = arith.constant 0 : i32
    %dma_wait3A_699 = arith.constant 0 : i32
    %dma_wait3A_700 = tpu.memref_slice %arg9[%dma_wait3A_697, %dma_wait3A_698, %dma_wait3A_699] : memref<2x128x64xf32, #tpu.memory_space<vmem>> -> memref<1x128x64xf32, #tpu.memory_space<vmem>>
    %dma_wait3A_701 = tpu.memref_squeeze %dma_wait3A_700 : memref<1x128x64xf32, #tpu.memory_space<vmem>> -> memref<128x64xf32, #tpu.memory_space<vmem>>
    %dma_wait3A_702 = arith.constant 0 : i32
    %dma_wait3A_703 = tpu.memref_slice %arg7[%dma_wait3A_696, %dma_wait3A_702] : memref<8x128xi32, #tpu.memory_space<vmem>> -> memref<1x128xi32, #tpu.memory_space<vmem>>
    %dma_wait3A_704 = tpu.memref_squeeze %dma_wait3A_703 : memref<1x128xi32, #tpu.memory_space<vmem>> -> memref<128xi32, #tpu.memory_space<vmem>>
    %dma_wait3A_705 = arith.constant 0 : i32
    %dma_wait3A_706 = arith.constant 0 : i32
    %dma_wait3A_707 = tpu.memref_slice %arg4[%dma_wait3A_705, %dma_wait3A_706] : memref<8192x64xf32, #tpu.memory_space<hbm>> -> memref<8192x64xf32, #tpu.memory_space<hbm>>
    tpu.wait_indirect_dma semaphore(%arg10 : memref<!tpu.dma_semaphore, #tpu.memory_space<semaphore_mem>>) src(%dma_wait3A_707 : memref<8192x64xf32, #tpu.memory_space<hbm>>) dst(%dma_wait3A_701 : memref<128x64xf32, #tpu.memory_space<vmem>>)
    %add3A_708 = arith.constant 7 : i32
    %add3A_709 = arith.addi %mul3A_2, %add3A_708 : i32
    %sub3A_710 = arith.constant 1 : i32
    %sub3A_711 = arith.subi %add3A_709, %sub3A_710 : i32
    %mul3A_712 = arith.constant 128 : i32
    %mul3A_713 = arith.muli %sub3A_711, %mul3A_712 : i32
    %dma_start3A_714 = arith.constant 0 : i32
    %dma_start3A_715 = arith.constant 0 : i32
    %dma_start3A_716 = arith.constant 0 : i32
    %dma_start3A_717 = tpu.memref_slice %arg8[%dma_start3A_714, %dma_start3A_715, %dma_start3A_716] : memref<2x128x64xf32, #tpu.memory_space<vmem>> -> memref<1x128x64xf32, #tpu.memory_space<vmem>>
    %dma_start3A_718 = tpu.memref_squeeze %dma_start3A_717 : memref<1x128x64xf32, #tpu.memory_space<vmem>> -> memref<128x64xf32, #tpu.memory_space<vmem>>
    %dma_start3A_719 = arith.constant 0 : i32
    %dma_start3A_720 = tpu.memref_slice %arg5[%mul3A_713, %dma_start3A_719] : memref<32768x64xf32, #tpu.memory_space<hbm>> -> memref<128x64xf32, #tpu.memory_space<hbm>>
    %dma_start3A_721 = arith.constant 0 : i32
    %dma_start3A_722 = tpu.memref_slice %arg5[%mul3A_713, %dma_start3A_721] : memref<32768x64xf32, #tpu.memory_space<hbm>> -> memref<128x64xf32, #tpu.memory_space<hbm>>
    %dma_start3A_723 = arith.constant 0 : i32
    %dma_start3A_724 = arith.constant 0 : i32
    %dma_start3A_725 = tpu.memref_slice %arg8[%dma_start3A_714, %dma_start3A_723, %dma_start3A_724] : memref<2x128x64xf32, #tpu.memory_space<vmem>> -> memref<1x128x64xf32, #tpu.memory_space<vmem>>
    %dma_start3A_726 = tpu.memref_squeeze %dma_start3A_725 : memref<1x128x64xf32, #tpu.memory_space<vmem>> -> memref<128x64xf32, #tpu.memory_space<vmem>>
    tpu.enqueue_dma source(%dma_start3A_726 : memref<128x64xf32, #tpu.memory_space<vmem>>) target(%dma_start3A_722 : memref<128x64xf32, #tpu.memory_space<hbm>>) target_semaphore(%arg12 : memref<!tpu.dma_semaphore, #tpu.memory_space<semaphore_mem>>)
    %dma_start3A_727 = arith.constant 0 : i32
    %dma_start3A_728 = arith.constant 0 : i32
    %dma_start3A_729 = arith.constant 0 : i32
    %dma_start3A_730 = tpu.memref_slice %arg9[%dma_start3A_727, %dma_start3A_728, %dma_start3A_729] : memref<2x128x64xf32, #tpu.memory_space<vmem>> -> memref<1x128x64xf32, #tpu.memory_space<vmem>>
    %dma_start3A_731 = tpu.memref_squeeze %dma_start3A_730 : memref<1x128x64xf32, #tpu.memory_space<vmem>> -> memref<128x64xf32, #tpu.memory_space<vmem>>
    %dma_start3A_732 = arith.constant 0 : i32
    %dma_start3A_733 = tpu.memref_slice %arg6[%mul3A_713, %dma_start3A_732] : memref<32768x64xf32, #tpu.memory_space<hbm>> -> memref<128x64xf32, #tpu.memory_space<hbm>>
    %dma_start3A_734 = arith.constant 0 : i32
    %dma_start3A_735 = tpu.memref_slice %arg6[%mul3A_713, %dma_start3A_734] : memref<32768x64xf32, #tpu.memory_space<hbm>> -> memref<128x64xf32, #tpu.memory_space<hbm>>
    %dma_start3A_736 = arith.constant 0 : i32
    %dma_start3A_737 = arith.constant 0 : i32
    %dma_start3A_738 = tpu.memref_slice %arg9[%dma_start3A_727, %dma_start3A_736, %dma_start3A_737] : memref<2x128x64xf32, #tpu.memory_space<vmem>> -> memref<1x128x64xf32, #tpu.memory_space<vmem>>
    %dma_start3A_739 = tpu.memref_squeeze %dma_start3A_738 : memref<1x128x64xf32, #tpu.memory_space<vmem>> -> memref<128x64xf32, #tpu.memory_space<vmem>>
    tpu.enqueue_dma source(%dma_start3A_739 : memref<128x64xf32, #tpu.memory_space<vmem>>) target(%dma_start3A_735 : memref<128x64xf32, #tpu.memory_space<hbm>>) target_semaphore(%arg12 : memref<!tpu.dma_semaphore, #tpu.memory_space<semaphore_mem>>)
    %dma_wait3A_740 = arith.constant 7 : i32
    %dma_wait3A_741 = arith.constant 1 : i32
    %dma_wait3A_742 = arith.constant 0 : i32
    %dma_wait3A_743 = arith.constant 0 : i32
    %dma_wait3A_744 = tpu.memref_slice %arg8[%dma_wait3A_741, %dma_wait3A_742, %dma_wait3A_743] : memref<2x128x64xf32, #tpu.memory_space<vmem>> -> memref<1x128x64xf32, #tpu.memory_space<vmem>>
    %dma_wait3A_745 = tpu.memref_squeeze %dma_wait3A_744 : memref<1x128x64xf32, #tpu.memory_space<vmem>> -> memref<128x64xf32, #tpu.memory_space<vmem>>
    %dma_wait3A_746 = arith.constant 0 : i32
    %dma_wait3A_747 = tpu.memref_slice %arg7[%dma_wait3A_740, %dma_wait3A_746] : memref<8x128xi32, #tpu.memory_space<vmem>> -> memref<1x128xi32, #tpu.memory_space<vmem>>
    %dma_wait3A_748 = tpu.memref_squeeze %dma_wait3A_747 : memref<1x128xi32, #tpu.memory_space<vmem>> -> memref<128xi32, #tpu.memory_space<vmem>>
    %dma_wait3A_749 = arith.constant 0 : i32
    %dma_wait3A_750 = arith.constant 0 : i32
    %dma_wait3A_751 = tpu.memref_slice %arg3[%dma_wait3A_749, %dma_wait3A_750] : memref<8192x64xf32, #tpu.memory_space<hbm>> -> memref<8192x64xf32, #tpu.memory_space<hbm>>
    tpu.wait_indirect_dma semaphore(%arg11 : memref<!tpu.dma_semaphore, #tpu.memory_space<semaphore_mem>>) src(%dma_wait3A_751 : memref<8192x64xf32, #tpu.memory_space<hbm>>) dst(%dma_wait3A_745 : memref<128x64xf32, #tpu.memory_space<vmem>>)
    %dma_wait3A_752 = arith.constant 7 : i32
    %dma_wait3A_753 = arith.constant 1 : i32
    %dma_wait3A_754 = arith.constant 0 : i32
    %dma_wait3A_755 = arith.constant 0 : i32
    %dma_wait3A_756 = tpu.memref_slice %arg9[%dma_wait3A_753, %dma_wait3A_754, %dma_wait3A_755] : memref<2x128x64xf32, #tpu.memory_space<vmem>> -> memref<1x128x64xf32, #tpu.memory_space<vmem>>
    %dma_wait3A_757 = tpu.memref_squeeze %dma_wait3A_756 : memref<1x128x64xf32, #tpu.memory_space<vmem>> -> memref<128x64xf32, #tpu.memory_space<vmem>>
    %dma_wait3A_758 = arith.constant 0 : i32
    %dma_wait3A_759 = tpu.memref_slice %arg7[%dma_wait3A_752, %dma_wait3A_758] : memref<8x128xi32, #tpu.memory_space<vmem>> -> memref<1x128xi32, #tpu.memory_space<vmem>>
    %dma_wait3A_760 = tpu.memref_squeeze %dma_wait3A_759 : memref<1x128xi32, #tpu.memory_space<vmem>> -> memref<128xi32, #tpu.memory_space<vmem>>
    %dma_wait3A_761 = arith.constant 0 : i32
    %dma_wait3A_762 = arith.constant 0 : i32
    %dma_wait3A_763 = tpu.memref_slice %arg4[%dma_wait3A_761, %dma_wait3A_762] : memref<8192x64xf32, #tpu.memory_space<hbm>> -> memref<8192x64xf32, #tpu.memory_space<hbm>>
    tpu.wait_indirect_dma semaphore(%arg11 : memref<!tpu.dma_semaphore, #tpu.memory_space<semaphore_mem>>) src(%dma_wait3A_763 : memref<8192x64xf32, #tpu.memory_space<hbm>>) dst(%dma_wait3A_757 : memref<128x64xf32, #tpu.memory_space<vmem>>)
    %add3A_764 = arith.constant 7 : i32
    %add3A_765 = arith.addi %mul3A_2, %add3A_764 : i32
    %mul3A_766 = arith.constant 128 : i32
    %mul3A_767 = arith.muli %add3A_765, %mul3A_766 : i32
    %dma_start3A_768 = arith.constant 1 : i32
    %dma_start3A_769 = arith.constant 0 : i32
    %dma_start3A_770 = arith.constant 0 : i32
    %dma_start3A_771 = tpu.memref_slice %arg8[%dma_start3A_768, %dma_start3A_769, %dma_start3A_770] : memref<2x128x64xf32, #tpu.memory_space<vmem>> -> memref<1x128x64xf32, #tpu.memory_space<vmem>>
    %dma_start3A_772 = tpu.memref_squeeze %dma_start3A_771 : memref<1x128x64xf32, #tpu.memory_space<vmem>> -> memref<128x64xf32, #tpu.memory_space<vmem>>
    %dma_start3A_773 = arith.constant 0 : i32
    %dma_start3A_774 = tpu.memref_slice %arg5[%mul3A_767, %dma_start3A_773] : memref<32768x64xf32, #tpu.memory_space<hbm>> -> memref<128x64xf32, #tpu.memory_space<hbm>>
    %dma_start3A_775 = arith.constant 0 : i32
    %dma_start3A_776 = tpu.memref_slice %arg5[%mul3A_767, %dma_start3A_775] : memref<32768x64xf32, #tpu.memory_space<hbm>> -> memref<128x64xf32, #tpu.memory_space<hbm>>
    %dma_start3A_777 = arith.constant 0 : i32
    %dma_start3A_778 = arith.constant 0 : i32
    %dma_start3A_779 = tpu.memref_slice %arg8[%dma_start3A_768, %dma_start3A_777, %dma_start3A_778] : memref<2x128x64xf32, #tpu.memory_space<vmem>> -> memref<1x128x64xf32, #tpu.memory_space<vmem>>
    %dma_start3A_780 = tpu.memref_squeeze %dma_start3A_779 : memref<1x128x64xf32, #tpu.memory_space<vmem>> -> memref<128x64xf32, #tpu.memory_space<vmem>>
    tpu.enqueue_dma source(%dma_start3A_780 : memref<128x64xf32, #tpu.memory_space<vmem>>) target(%dma_start3A_776 : memref<128x64xf32, #tpu.memory_space<hbm>>) target_semaphore(%arg13 : memref<!tpu.dma_semaphore, #tpu.memory_space<semaphore_mem>>)
    %dma_start3A_781 = arith.constant 1 : i32
    %dma_start3A_782 = arith.constant 0 : i32
    %dma_start3A_783 = arith.constant 0 : i32
    %dma_start3A_784 = tpu.memref_slice %arg9[%dma_start3A_781, %dma_start3A_782, %dma_start3A_783] : memref<2x128x64xf32, #tpu.memory_space<vmem>> -> memref<1x128x64xf32, #tpu.memory_space<vmem>>
    %dma_start3A_785 = tpu.memref_squeeze %dma_start3A_784 : memref<1x128x64xf32, #tpu.memory_space<vmem>> -> memref<128x64xf32, #tpu.memory_space<vmem>>
    %dma_start3A_786 = arith.constant 0 : i32
    %dma_start3A_787 = tpu.memref_slice %arg6[%mul3A_767, %dma_start3A_786] : memref<32768x64xf32, #tpu.memory_space<hbm>> -> memref<128x64xf32, #tpu.memory_space<hbm>>
    %dma_start3A_788 = arith.constant 0 : i32
    %dma_start3A_789 = tpu.memref_slice %arg6[%mul3A_767, %dma_start3A_788] : memref<32768x64xf32, #tpu.memory_space<hbm>> -> memref<128x64xf32, #tpu.memory_space<hbm>>
    %dma_start3A_790 = arith.constant 0 : i32
    %dma_start3A_791 = arith.constant 0 : i32
    %dma_start3A_792 = tpu.memref_slice %arg9[%dma_start3A_781, %dma_start3A_790, %dma_start3A_791] : memref<2x128x64xf32, #tpu.memory_space<vmem>> -> memref<1x128x64xf32, #tpu.memory_space<vmem>>
    %dma_start3A_793 = tpu.memref_squeeze %dma_start3A_792 : memref<1x128x64xf32, #tpu.memory_space<vmem>> -> memref<128x64xf32, #tpu.memory_space<vmem>>
    tpu.enqueue_dma source(%dma_start3A_793 : memref<128x64xf32, #tpu.memory_space<vmem>>) target(%dma_start3A_789 : memref<128x64xf32, #tpu.memory_space<hbm>>) target_semaphore(%arg13 : memref<!tpu.dma_semaphore, #tpu.memory_space<semaphore_mem>>)
    %dma_wait3A_794 = arith.constant 0 : i32
    %dma_wait3A_795 = arith.constant 0 : i32
    %dma_wait3A_796 = arith.constant 0 : i32
    %dma_wait3A_797 = tpu.memref_slice %arg8[%dma_wait3A_794, %dma_wait3A_795, %dma_wait3A_796] : memref<2x128x64xf32, #tpu.memory_space<vmem>> -> memref<1x128x64xf32, #tpu.memory_space<vmem>>
    %dma_wait3A_798 = tpu.memref_squeeze %dma_wait3A_797 : memref<1x128x64xf32, #tpu.memory_space<vmem>> -> memref<128x64xf32, #tpu.memory_space<vmem>>
    %dma_wait3A_799 = arith.constant 0 : i32
    %dma_wait3A_800 = tpu.memref_slice %arg5[%mul3A_713, %dma_wait3A_799] : memref<32768x64xf32, #tpu.memory_space<hbm>> -> memref<128x64xf32, #tpu.memory_space<hbm>>
    %dma_wait3A_801 = arith.constant 0 : i32
    %dma_wait3A_802 = tpu.memref_slice %arg5[%mul3A_713, %dma_wait3A_801] : memref<32768x64xf32, #tpu.memory_space<hbm>> -> memref<128x64xf32, #tpu.memory_space<hbm>>
    %dma_wait3A_803 = arith.constant 0 : i32
    %dma_wait3A_804 = arith.constant 0 : i32
    %dma_wait3A_805 = tpu.memref_slice %arg8[%dma_wait3A_794, %dma_wait3A_803, %dma_wait3A_804] : memref<2x128x64xf32, #tpu.memory_space<vmem>> -> memref<1x128x64xf32, #tpu.memory_space<vmem>>
    %dma_wait3A_806 = tpu.memref_squeeze %dma_wait3A_805 : memref<1x128x64xf32, #tpu.memory_space<vmem>> -> memref<128x64xf32, #tpu.memory_space<vmem>>
    tpu.wait_dma2 semaphore(%arg12 : memref<!tpu.dma_semaphore, #tpu.memory_space<semaphore_mem>>) src(%dma_wait3A_806 : memref<128x64xf32, #tpu.memory_space<vmem>>) dst(%dma_wait3A_802 : memref<128x64xf32, #tpu.memory_space<hbm>>)
    %dma_wait3A_807 = arith.constant 0 : i32
    %dma_wait3A_808 = arith.constant 0 : i32
    %dma_wait3A_809 = arith.constant 0 : i32
    %dma_wait3A_810 = tpu.memref_slice %arg9[%dma_wait3A_807, %dma_wait3A_808, %dma_wait3A_809] : memref<2x128x64xf32, #tpu.memory_space<vmem>> -> memref<1x128x64xf32, #tpu.memory_space<vmem>>
    %dma_wait3A_811 = tpu.memref_squeeze %dma_wait3A_810 : memref<1x128x64xf32, #tpu.memory_space<vmem>> -> memref<128x64xf32, #tpu.memory_space<vmem>>
    %dma_wait3A_812 = arith.constant 0 : i32
    %dma_wait3A_813 = tpu.memref_slice %arg6[%mul3A_713, %dma_wait3A_812] : memref<32768x64xf32, #tpu.memory_space<hbm>> -> memref<128x64xf32, #tpu.memory_space<hbm>>
    %dma_wait3A_814 = arith.constant 0 : i32
    %dma_wait3A_815 = tpu.memref_slice %arg6[%mul3A_713, %dma_wait3A_814] : memref<32768x64xf32, #tpu.memory_space<hbm>> -> memref<128x64xf32, #tpu.memory_space<hbm>>
    %dma_wait3A_816 = arith.constant 0 : i32
    %dma_wait3A_817 = arith.constant 0 : i32
    %dma_wait3A_818 = tpu.memref_slice %arg9[%dma_wait3A_807, %dma_wait3A_816, %dma_wait3A_817] : memref<2x128x64xf32, #tpu.memory_space<vmem>> -> memref<1x128x64xf32, #tpu.memory_space<vmem>>
    %dma_wait3A_819 = tpu.memref_squeeze %dma_wait3A_818 : memref<1x128x64xf32, #tpu.memory_space<vmem>> -> memref<128x64xf32, #tpu.memory_space<vmem>>
    tpu.wait_dma2 semaphore(%arg12 : memref<!tpu.dma_semaphore, #tpu.memory_space<semaphore_mem>>) src(%dma_wait3A_819 : memref<128x64xf32, #tpu.memory_space<vmem>>) dst(%dma_wait3A_815 : memref<128x64xf32, #tpu.memory_space<hbm>>)
    %dma_wait3A_820 = arith.constant 1 : i32
    %dma_wait3A_821 = arith.constant 0 : i32
    %dma_wait3A_822 = arith.constant 0 : i32
    %dma_wait3A_823 = tpu.memref_slice %arg8[%dma_wait3A_820, %dma_wait3A_821, %dma_wait3A_822] : memref<2x128x64xf32, #tpu.memory_space<vmem>> -> memref<1x128x64xf32, #tpu.memory_space<vmem>>
    %dma_wait3A_824 = tpu.memref_squeeze %dma_wait3A_823 : memref<1x128x64xf32, #tpu.memory_space<vmem>> -> memref<128x64xf32, #tpu.memory_space<vmem>>
    %dma_wait3A_825 = arith.constant 0 : i32
    %dma_wait3A_826 = tpu.memref_slice %arg5[%mul3A_767, %dma_wait3A_825] : memref<32768x64xf32, #tpu.memory_space<hbm>> -> memref<128x64xf32, #tpu.memory_space<hbm>>
    %dma_wait3A_827 = arith.constant 0 : i32
    %dma_wait3A_828 = tpu.memref_slice %arg5[%mul3A_767, %dma_wait3A_827] : memref<32768x64xf32, #tpu.memory_space<hbm>> -> memref<128x64xf32, #tpu.memory_space<hbm>>
    %dma_wait3A_829 = arith.constant 0 : i32
    %dma_wait3A_830 = arith.constant 0 : i32
    %dma_wait3A_831 = tpu.memref_slice %arg8[%dma_wait3A_820, %dma_wait3A_829, %dma_wait3A_830] : memref<2x128x64xf32, #tpu.memory_space<vmem>> -> memref<1x128x64xf32, #tpu.memory_space<vmem>>
    %dma_wait3A_832 = tpu.memref_squeeze %dma_wait3A_831 : memref<1x128x64xf32, #tpu.memory_space<vmem>> -> memref<128x64xf32, #tpu.memory_space<vmem>>
    tpu.wait_dma2 semaphore(%arg13 : memref<!tpu.dma_semaphore, #tpu.memory_space<semaphore_mem>>) src(%dma_wait3A_832 : memref<128x64xf32, #tpu.memory_space<vmem>>) dst(%dma_wait3A_828 : memref<128x64xf32, #tpu.memory_space<hbm>>)
    %dma_wait3A_833 = arith.constant 1 : i32
    %dma_wait3A_834 = arith.constant 0 : i32
    %dma_wait3A_835 = arith.constant 0 : i32
    %dma_wait3A_836 = tpu.memref_slice %arg9[%dma_wait3A_833, %dma_wait3A_834, %dma_wait3A_835] : memref<2x128x64xf32, #tpu.memory_space<vmem>> -> memref<1x128x64xf32, #tpu.memory_space<vmem>>
    %dma_wait3A_837 = tpu.memref_squeeze %dma_wait3A_836 : memref<1x128x64xf32, #tpu.memory_space<vmem>> -> memref<128x64xf32, #tpu.memory_space<vmem>>
    %dma_wait3A_838 = arith.constant 0 : i32
    %dma_wait3A_839 = tpu.memref_slice %arg6[%mul3A_767, %dma_wait3A_838] : memref<32768x64xf32, #tpu.memory_space<hbm>> -> memref<128x64xf32, #tpu.memory_space<hbm>>
    %dma_wait3A_840 = arith.constant 0 : i32
    %dma_wait3A_841 = tpu.memref_slice %arg6[%mul3A_767, %dma_wait3A_840] : memref<32768x64xf32, #tpu.memory_space<hbm>> -> memref<128x64xf32, #tpu.memory_space<hbm>>
    %dma_wait3A_842 = arith.constant 0 : i32
    %dma_wait3A_843 = arith.constant 0 : i32
    %dma_wait3A_844 = tpu.memref_slice %arg9[%dma_wait3A_833, %dma_wait3A_842, %dma_wait3A_843] : memref<2x128x64xf32, #tpu.memory_space<vmem>> -> memref<1x128x64xf32, #tpu.memory_space<vmem>>
    %dma_wait3A_845 = tpu.memref_squeeze %dma_wait3A_844 : memref<1x128x64xf32, #tpu.memory_space<vmem>> -> memref<128x64xf32, #tpu.memory_space<vmem>>
    tpu.wait_dma2 semaphore(%arg13 : memref<!tpu.dma_semaphore, #tpu.memory_space<semaphore_mem>>) src(%dma_wait3A_845 : memref<128x64xf32, #tpu.memory_space<vmem>>) dst(%dma_wait3A_841 : memref<128x64xf32, #tpu.memory_space<hbm>>)
    return
  }
}

</mosaic_0001>

<sc_bundles>
// kernel: kernel.3.cloned.1.call-start
scs
__scs_entry_jumppad:
0x0: {  	(pc) =	sbr.rel $0x88, $3  }
0x1: {  	(tag) =	ssettag $0x0;
	lr =	simm.s32 $0x1  }
0x2: {  	[smem:$0x3F9E] =	sst lr;
	_ =	strace $0xD0000000  }
0x3: {  	_ = 	snop  }
0x4: {  	_ = 	snop  }
0x5: {  	_ = 	snop  }
0x6: {  	_ = 	snop  }
0x7: {  	_ = 	snop  }
__scs_overlays_trampoline_lowered:
0x8: {  	[smem:$0x3FAD] =	sst s0  }
0x9: {  	[smem:$0x3FAE] =	sst s1  }
0xa: {  	[smem:$0x3FAF] =	sst s2  }
0xb: {  	[smem:$0x3FB0] =	sst s3  }
0xc: {  	[smem:$0x3FB1] =	sst s4  }
0xd: {  	[smem:$0x3FB2] =	sst s5  }
0xe: {  	[smem:$0x3FB3] =	sst s6  }
0xf: {  	[smem:$0x3FB4] =	sst s7  }
0x10: {  	[smem:$0x3FB5] =	sst s8  }
0x11: {  	[smem:$0x3FB6] =	sst s9;
	s0 =	simm.s32 @!p0 $0x0  }
0x12: {  	s1 =	sld [smem:$0x3F9C];
	s0 =	simm.s32 @p0 $0x1  }
0x13: {  	[smem:$0x3FB7] =	sst s0;
	s0 =	simm.s32 @!p1 $0x0  }
0x14: {  	s2 =	sld [smem:$0x3F9B];
	s0 =	simm.s32 @p1 $0x1  }
0x15: {  	[smem:$0x3FB8] =	sst s0;
	s0 =	simm.s32 @!p2 $0x0  }
0x16: {  	s3 =	sld [smem:$0x3FDB];
	s0 =	simm.s32 @p2 $0x1  }
0x17: {  	s4 =	simm.s32 $0x1BF5;
	[smem:$0x3FBA] =	sst s0  }
0x18: {  	s0 =	sld [smem:$0x3F9D];
	_ =	swait.ge [sflag:s4], $0x0  }
0x19: {  	s7 =	sld [smem:$0x3F9E]  }
0x1a: {  	s8 =	sadd.s32 $0xFFFFE003, lr  }
0x1b: {  	s9 =	sadd.s32 $0xFFFFFEF7, lr;
	s5 =	simm.s32 $0xFFFFFFFF;
	p2 =	slt.u32 s8, $0xFFFFF086  }
0x1c: {  	p1 =	slt.u32 s9, $0xF7A;
	s5 =	simm.s32 @!p2 $0x0  }
0x1d: {  	s5 =	simm.s32 @p1 $0x1;
	p0 =	seq.s32 s7, s2  }
0x1e: {  	s7 =	smul.u32 @!p0 $0xF7A, s2;
	p2 =	seq.s32 @!p0 s5, $0x0  }
0x1f: {  	s9 =	smul.u32 $0xF7A, s1;
	s8 =	simm.s32 @!p0 $0x1BF5;
	p2 =	por !p2, p0  }
0x20: {  	[sflag:s8] =	ssyncset.s32 @!p0 $0xFFFFF086;
	s6 =	sadd.s32 @!p0 s3, s7;
	s7 =	simm.s32 @!p0 $0x108  }
0x21: {  	s3 =	sadd.s32 s3, s9;
	s6 =	sadd.s32 @!p0 $0x88, s6;
	s7 =	simm.s32 @p2 $0x1082  }
0x22: {  	[simem:s7], [sflag:s8] =	dma.local @!p0 [hbm:s6], $0xF7A  }
0x23: {  	s9 =	sor.u32 $0xD0000000, s2;
	s6 =	simm.s32 $0x108;
	_ =	swait.ge @!p0 [sflag:s8], $0x0  }
0x24: {  	s3 =	sadd.s32 $0x88, s3;
	s6 =	simm.s32 @!p1 $0x1082;
	[sflag:s4] =	ssyncset.s32 $0xFFFFF086  }
0x25: {  	[simem:s6], [sflag:s4] =	dma.local [hbm:s3], $0xF7A  }
0x26: {  	[smem:$0x3F9E] =	sst s1;
	(tag) =	ssettag s2;
	_ =	strace s9  }
0x27: {  	s1 =	sld [smem:$0x3FAE]  }
0x28: {  	s2 =	sld [smem:$0x3FAF]  }
0x29: {  	s4 =	sld [smem:$0x3FB1]  }
0x2a: {  	p0 =	seq.s32 s5, $0x0;
	s5 =	sld [smem:$0x3FB2]  }
0x2b: {  	s6 =	sld [smem:$0x3FB3]  }
0x2c: {  	s7 =	sld [smem:$0x3FB4]  }
0x2d: {  	s3 =	simm.s32 $0x108;
	s8 =	sld [smem:$0x3FB5]  }
0x2e: {  	s3 =	simm.s32 @!p0 $0x1082;
	s9 =	sld [smem:$0x3FB6]  }
0x2f: {  	lr =	sadd.s32 s0, s3;
	s0 =	sld [smem:$0x3FAD]  }
0x30: {  	s3 =	sld [smem:$0x3FB0]  }
0x31: {  	[smem:$0x3FB9] =	sst s10  }
0x32: {  	s10 =	sld [smem:$0x3FB7];
	_ =	sdelay $0x3  }
0x33: {  	p0 =	seq.s32 s10, $0x1;
	s10 =	sld [smem:$0x3FB9];
	_ =	sdelay $0x3  }
0x34: {  	[smem:$0x3FB9] =	sst s10  }
0x35: {  	s10 =	sld [smem:$0x3FB8];
	_ =	sdelay $0x3  }
0x36: {  	p1 =	seq.s32 s10, $0x1;
	s10 =	sld [smem:$0x3FB9];
	_ =	sdelay $0x3  }
0x37: {  	[smem:$0x3FB9] =	sst s10  }
0x38: {  	s10 =	sld [smem:$0x3FBA]  }
0x39: {  	_ = 	snop;
	(pc) =	sbr.ind lr, $3  }
0x3a: {  	_ = 	snop  }
0x3b: {  	_ = 	snop  }
0x3c: {  	p2 =	seq.s32 s10, $0x1;
	s10 =	sld [smem:$0x3FB9]  }
0x3d: {  	_ =	shalt  }
0x3e: {  	_ =	shalt  }
0x3f: {  	_ =	shalt  }
0x40: {  	_ =	shalt  }
0x41: {  	_ =	shalt  }
0x42: {  	_ =	shalt  }
0x43: {  	_ =	shalt  }
0x44: {  	_ =	shalt  }
0x45: {  	_ =	shalt  }
0x46: {  	_ =	shalt  }
0x47: {  	_ =	shalt  }
0x48: {  	_ =	shalt  }
0x49: {  	_ =	shalt  }
0x4a: {  	_ =	shalt  }
0x4b: {  	_ =	shalt  }
0x4c: {  	_ =	shalt  }
0x4d: {  	_ =	shalt  }
0x4e: {  	_ =	shalt  }
0x4f: {  	_ =	shalt  }
0x50: {  	_ =	shalt  }
0x51: {  	_ =	shalt  }
0x52: {  	_ =	shalt  }
0x53: {  	_ =	shalt  }
0x54: {  	_ =	shalt  }
0x55: {  	_ =	shalt  }
0x56: {  	_ =	shalt  }
0x57: {  	_ =	shalt  }
0x58: {  	_ =	shalt  }
0x59: {  	_ =	shalt  }
0x5a: {  	_ =	shalt  }
0x5b: {  	_ =	shalt  }
0x5c: {  	_ =	shalt  }
0x5d: {  	_ =	shalt  }
0x5e: {  	_ =	shalt  }
0x5f: {  	_ =	shalt  }
0x60: {  	_ =	shalt  }
0x61: {  	_ =	shalt  }
0x62: {  	_ =	shalt  }
0x63: {  	_ =	shalt  }
0x64: {  	_ =	shalt  }
0x65: {  	_ =	shalt  }
0x66: {  	_ =	shalt  }
0x67: {  	_ =	shalt  }
0x68: {  	_ =	shalt  }
0x69: {  	_ =	shalt  }
0x6a: {  	_ =	shalt  }
0x6b: {  	_ =	shalt  }
0x6c: {  	_ =	shalt  }
0x6d: {  	_ =	shalt  }
0x6e: {  	_ =	shalt  }
0x6f: {  	_ =	shalt  }
0x70: {  	_ =	shalt  }
0x71: {  	_ =	shalt  }
0x72: {  	_ =	shalt  }
0x73: {  	_ =	shalt  }
0x74: {  	_ =	shalt  }
0x75: {  	_ =	shalt  }
0x76: {  	_ =	shalt  }
0x77: {  	_ =	shalt  }
0x78: {  	_ =	shalt  }
0x79: {  	_ =	shalt  }
0x7a: {  	_ =	shalt  }
0x7b: {  	_ =	shalt  }
0x7c: {  	_ =	shalt  }
0x7d: {  	_ =	shalt  }
0x7e: {  	_ =	shalt  }
0x7f: {  	_ =	shalt  }
0x80: {  	_ =	shalt  }
0x81: {  	_ =	shalt  }
0x82: {  	_ =	shalt  }
0x83: {  	_ =	shalt  }
0x84: {  	_ =	shalt  }
0x85: {  	_ =	shalt  }
0x86: {  	_ =	shalt  }
0x87: {  	_ =	shalt  }
.Lfunc_end0:
.L_simem_size_0:
called_computation_lowered:
.L_overlay_start_0:
0x88: {  	s2 =	sld [smem:$0x3FD9]  }
0x89: {  	s3 =	sld [smem:$0x3FFE];
	_ =	sdelay $0x1  }
0x8a: {  	s1 =	srdreg.scid  }
0x8b: {  	s0 =	sand.u32 $0x1, s1  }
0x8c: {  	s14 =	sshll.u32 s0, $0xA;
	s2 =	sadd.s32 s3, s2  }
0x8d: {  	s2 =	sadd.s32 s2, s14  }
0x8e: {  	[smem:$0x3FC5] =	sst s2  }
0x8f: {  	_ = 	snop  }
0x90: {  	s2 =	sld [smem:$0x3FD0];
	_ =	sdelay $0x2  }
0x91: {  	s15 =	simm.s32 $0xA;
	s4 =	simm.s32 $0x10  }
0x92: {  	[smem:s4], [sflag:s15] =	dma.local [hbm:s2], $0x1  }
0x93: {  	_ =	swait.eq [sflag:s15], $0x1  }
0x94: {  	[sflag:s15] =	ssyncset.done $0x0  }
0x95: {  	s16 =	sld [smem:$0x10];
	[sflag:s15] =	ssyncadd.s32 $0xFFFFFFFF  }
0x96: {  	s17 =	sld [smem:$0x11];
	(tm) =	ssettm $0x1  }
0x97: {  	s18 =	sld [smem:$0x3FFB];
	_ =	sdelay $0x3  }
0x98: {  	_ =	strace s18  }
0x99: {  	s4 =	sld [smem:$0x3FFC];
	_ =	sdelay $0x3  }
0x9a: {  	_ =	strace s4  }
0x9b: {  	s4 =	sld [smem:$0x3FFD];
	_ =	sdelay $0x3  }
0x9c: {  	_ =	strace s4  }
0x9d: {  	_ =	strace $0x8FFFFFFF  }
0x9e: {  	s19 =	sld [smem:$0x3FDB];
	_ =	sdelay $0x1  }
0x9f: {  	s5 =	simm.s32 $_scs_section_size  }
0xa0: {  	s6 =	simm.s32 $_size__tile_overlayer_lowered;
	s7 =	simm.s32 $_tile_overlayer_lowered  }
0xa1: {  	s22 =	simm.s32 $0x1BFF;
	s21 =	sshll.u32 s7, $0x1;
	s4 =	sadd.s32 s5, s19  }
0xa2: {  	s8 =	simm.s32 $0x0;
	s20 =	sshll.u32 s6, $0x1;
	s6 =	sadd.s32 s21, s4  }
0xa3: {  	[timem:s8], [sflag:s22] =	dma.local [hbm:s6], s20  }
0xa4: {  	_ =	swait.ge [sflag:s22], s20  }
0xa5: {  	s5 =	ssub.s32 $0x0, s20;
	[sflag:s22] =	ssyncset.done $0x0  }
0xa6: {  	[sflag:s22] =	ssyncadd.s32 s5;
	_ =	sdelay $0x1  }
0xa7: {  	s23 =	simm.s32 $0x1B8B  }
0xa8: {  	_ =	swait.ge [sflag:s23], $0x1  }
0xa9: {  	[sflag:s23] =	ssyncset.done $0x0  }
0xaa: {  	s25 =	simm.s32 $0x1B8E;
	s24 =	sld [smem:$0x3FFE];
	[sflag:s23] =	ssyncadd.s32 $0xFFFFFFFF  }
0xab: {  	s26 =	simm.s32 $execute0_lowered;
	[smem:$0x3FD2] =	sst s25  }
0xac: {  	s6 =	sshll.u32 s26, $0x1;
	_ =	strace $0x80000046;
	[dreg:$0x1] =	wrdreg $0xFFFFFFFF  }
0xad: {  	s28 =	simm.s32 $_size_execute0_lowered;
	s4 =	sadd.s32 s4, s6;
	[dreg:$0x0] =	wrdreg $0x0  }
0xae: {  	s6 =	sshll.u32 s28, $0x1;
	[dreg:$0x2] =	wrdreg s4  }
0xaf: {  	[dreg:$0x3] =	wrdreg s6  }
0xb0: {  	[dreg:$0x4] =	wrdreg $0xC0  }
0xb1: {  	_ =	task [dreg:s8], $0x5FFFF  }
0xb2: {  	[dreg:$0x1] =	wrdreg $0xFFFFFFFF  }
0xb3: {  	[dreg:$0x0] =	wrdreg $0x60  }
0xb4: {  	[dreg:$0x2] =	wrdreg s24  }
0xb5: {  	[dreg:$0x3] =	wrdreg s16  }
0xb6: {  	[dreg:$0x4] =	wrdreg s17  }
0xb7: {  	[dreg:$0x5] =	wrdreg $0x9  }
0xb8: {  	_ =	task.clear_ibuf [dreg:s8], $0x6FFFF;
	_ =	strace $0x90000046  }
0xb9: {  	s29 =	simm.s32 $0x9;
	_ =	strace $0x80000048  }
0xba: {  	_ =	swait.ge [sflag:s29], $0x1  }
0xbb: {  	[sflag:s29] =	ssyncadd.s32 $0xFFFFFFFF  }
0xbc: {  	_ =	strace $0x90000048  }
0xbd: {  	_ =	sfence  }
0xbe: {  	s30 =	sld [smem:$0x0];
	_ =	sdelay $0x2  }
0xbf: {  	s31 =	sshll.u32 s1, $0xD;
	s1 =	sshrl.u32 s1, $0x2  }
0xc0: {  	s3 =	sand.u32 $0x4000, s31;
	s1 =	sadd.s32 s1, s30  }
0xc1: {  	s0 =	sor.u32 s3, s0;
	s1 =	sshll.u32 s1, $0x11  }
0xc2: {  	s0 =	sor.u32 s1, s0  }
0xc3: {  	s0 =	sadd.s32 $0x8F2B, s0  }
0xc4: {  	[sflag:s0] =	ssyncadd.remote.s32 $0x1  }
0xc5: {  	_ =	sfence.sel $0xFFFF  }
0xc6: {  	[dreg:$0x0] =	wrdreg $0xFFFFFFFF;
	(pc) =	sbr.abs _section_cstart, $3  }
0xc7: {  	[dreg:$0x1] =	wrdreg $0xFFFFFFFF  }
0xc8: {  	_ =	task.clear_ibuf [dreg:s8], $0x2FFFF;
	_ =	strace $0x9FFFFFFF  }
0xc9: {  	(tm) =	ssettm $0x7FFFFFFF  }
tec
execute0_lowered:
.L_overlay_start_1:
0x0: {  	(tag) =	ssettag $0x1  }
0x1: {  	s0 =	rddreg [dreg:$0x0]  }
0x2: {  	s1 =	rddreg [dreg:$0x1];
	s2 =	srdreg.scid  }
0x3: {  	s3 =	stileid.u32;
	s6 =	rddreg [dreg:$0x2];
	s31 =	simm.s32 $0x5  }
0x4: {  	s30 =	simm.s32 $0x100;
	p0 =	por $0x0, $0x0;
	s29 =	simm.s32 $0x180  }
0x5: {  	s28 =	simm.s32 $0x200;
	s5 =	sand.u32 $0x1, s2;
	s3 =	sshll.u32 s3, $0x1  }
0x6: {  	s2 =	simm.s32 $0x0;
	s4 =	sadd.s32 $0x11C00, s0;
	s7 =	sor.u32 s5, s3  }
0x7: {  	[smem:$0x7FF] =	sst s2;
	s5 =	ssub.s32 $0x2, s5;
	s3 =	sshll.u32 s7, $0x7  }
0x8: {  	_ =	strace $0x80000047;
	s7 =	sshll.u32 s7, $0xD;
	s9 =	sshrl.u32 s5, $0x1  }
0x9: {  	s8 =	sadd.s32 s3, s0;
	s3 =	sadd.s32 $0x1C00, s0;
	s12 =	sadd.s32 s1, s7  }
0xa: {  	s13 =	sadd.s32 s6, s7;
	s14 =	sor.u32 $0x400, s7;
	s17 =	sor.u32 $0x800, s7  }
0xb: {  	s20 =	sor.u32 $0xC00, s7;
	s21 =	sor.u32 $0x1000, s7;
	s22 =	sor.u32 $0x1400, s7  }
0xc: {  	s25 =	sor.u32 $0x1800, s7;
	s7 =	sor.u32 $0x1C00, s7;
	[dreg:$0x5] =	wrdreg s12  }
0xd: {  	s11 =	sadd.s32 $0xC00, s8;
	[dreg:$0x6] =	wrdreg s13;
	s15 =	sadd.s32 s1, s14  }
0xe: {  	s16 =	sadd.s32 s6, s14;
	s18 =	sadd.s32 s1, s17;
	s19 =	sadd.s32 s6, s17  }
0xf: {  	s23 =	sadd.s32 s1, s20;
	s24 =	sadd.s32 s6, s20;
	s20 =	sadd.s32 s1, s21  }
0x10: {  	s21 =	sadd.s32 s6, s21;
	s10 =	sadd.s32 s6, s25;
	[dreg:$0x4] =	wrdreg s11  }
0x11: {  	s13 =	simm.s32 $0x400;
	s14 =	simm.s32 $0x4400;
	[dreg:$0x7] =	wrdreg s15  }
0x12: {  	s12 =	simm.s32 $0x6400;
	s11 =	ssub.s32 s5, s9;
	[dreg:$0x8] =	wrdreg s16  }
0x13: {  	s17 =	simm.s32 $0x1;
	[dreg:$0x9] =	wrdreg s18;
	s26 =	smax.u32 s11, $0x1  }
0x14: {  	s8 =	simm.s32 $0x4;
	[dreg:$0xa] =	wrdreg s19;
	p1 =	sne.s32 s26, $0x1  }
.Ltmp0:
0x15: {  	s16 =	sadd.s32 s1, s22;
	s18 =	sadd.s32 s6, s22;
	(pc) =	sbr.rel @!p1 .LBB2_3-.Ltmp0, $4  }
0x16: {  	s9 =	sadd.s32 s1, s25;
	s5 =	sadd.s32 s1, s7;
	s6 =	sadd.s32 s6, s7  }
0x17: {  	s19 =	simm.s32 $0x80;
	s7 =	simm.s32 $0x3;
	s15 =	simm.s32 $0x2  }
0x18: {  	s25 =	simm.s32 $0x300;
	s22 =	simm.s32 $0x380;
	s11 =	simm.s32 $0x2400  }
0x19: {  	s0 =	rddreg [dreg:$0x4];
	s1 =	sadd.s32 $0xFFFFFFFF, s26;
	s26 =	simm.s32 $0x280  }
0x1a: {  	[tilespmem:s2], [sflag:$0x5] =	stream.linear.gather [hbm4b:s0+s2], $0x400, $0x38;
	[tilespmem:$0x8400] =	vst v63  }
0x1b: {  	_ =	swait.ge [sflag:s31], $0x400  }
0x1c: {  	[sflag:s31] =	ssyncset.done $0x0  }
0x1d: {  	[sflag:s31] =	ssyncadd.s32 $0xFFFFFC00  }
0x1e: {  	[tilespmem:s13], [sflag:$0x1] =	stream.indirect.gather [hbm4b:s3+s19], $0x40, s2, s19, $0xb8;
	[tilespmem:$0x8400] =	vst v63  }
0x1f: {  	_ = 	snop  }
0x20: {  	[tilespmem:s14], [sflag:$0x1] =	stream.indirect.gather [hbm4b:s4+s19], $0x40, s2, s19, $0xb8;
	[tilespmem:$0x8400] =	vst v63  }
0x21: {  	_ = 	snop  }
0x22: {  	[tilespmem:s11], [sflag:$0x2] =	stream.indirect.gather [hbm4b:s3+s19], $0x40, s19, s19, $0xb8;
	[tilespmem:$0x8400] =	vst v63  }
0x23: {  	_ = 	snop  }
0x24: {  	[tilespmem:s12], [sflag:$0x2] =	stream.indirect.gather [hbm4b:s4+s19], $0x40, s19, s19, $0xb8;
	[tilespmem:$0x8400] =	vst v63  }
0x25: {  	_ =	swait.ge [sflag:s17], $0x2000  }
0x26: {  	[sflag:s17] =	ssyncset.done $0x0  }
0x27: {  	[sflag:s17] =	ssyncadd.s32 $0xFFFFE000  }
0x28: {  	_ =	swait.ge [sflag:s17], $0x2000  }
0x29: {  	[dreg:$0xb] =	wrdreg s1;
	[sflag:s17] =	ssyncset.done $0x0  }
0x2a: {  	s0 =	rddreg [dreg:$0x5];
	[sflag:s17] =	ssyncadd.s32 $0xFFFFE000  }
0x2b: {  	[hbm4b:s0+s2] =	stream.linear.scatter [tilespmem:s13], [sflag:$0x3], $0x2000, $0x38;
	[tilespmem:$0x8400] =	vst v63  }
0x2c: {  	s1 =	rddreg [dreg:$0x6]  }
0x2d: {  	[hbm4b:s1+s2] =	stream.linear.scatter [tilespmem:s14], [sflag:$0x3], $0x2000, $0x38;
	[tilespmem:$0x8400] =	vst v63  }
0x2e: {  	_ =	swait.ge [sflag:s7], $0x2000  }
0x2f: {  	[sflag:s7] =	ssyncset.done $0x0  }
0x30: {  	[sflag:s7] =	ssyncadd.s32 $0xFFFFE000  }
0x31: {  	_ =	swait.ge [sflag:s7], $0x2000  }
0x32: {  	[sflag:s7] =	ssyncset.done $0x0  }
0x33: {  	[sflag:s7] =	ssyncadd.s32 $0xFFFFE000  }
0x34: {  	[tilespmem:s13], [sflag:$0x1] =	stream.indirect.gather [hbm4b:s3+s19], $0x40, s30, s19, $0xb8;
	[tilespmem:$0x8400] =	vst v63  }
0x35: {  	_ = 	snop  }
0x36: {  	[tilespmem:s14], [sflag:$0x1] =	stream.indirect.gather [hbm4b:s4+s19], $0x40, s30, s19, $0xb8;
	[tilespmem:$0x8400] =	vst v63  }
0x37: {  	_ =	swait.ge [sflag:s15], $0x2000  }
0x38: {  	[sflag:s15] =	ssyncset.done $0x0  }
0x39: {  	[sflag:s15] =	ssyncadd.s32 $0xFFFFE000  }
0x3a: {  	_ =	swait.ge [sflag:s15], $0x2000  }
0x3b: {  	[sflag:s15] =	ssyncset.done $0x0  }
0x3c: {  	s0 =	rddreg [dreg:$0x7];
	[sflag:s15] =	ssyncadd.s32 $0xFFFFE000  }
0x3d: {  	[hbm4b:s0+s2] =	stream.linear.scatter [tilespmem:s11], [sflag:$0x4], $0x2000, $0x38;
	[tilespmem:$0x8400] =	vst v63  }
0x3e: {  	s1 =	rddreg [dreg:$0x8]  }
0x3f: {  	[hbm4b:s1+s2] =	stream.linear.scatter [tilespmem:s12], [sflag:$0x4], $0x2000, $0x38;
	[tilespmem:$0x8400] =	vst v63  }
0x40: {  	_ =	swait.ge [sflag:s8], $0x2000  }
0x41: {  	[sflag:s8] =	ssyncset.done $0x0  }
0x42: {  	[sflag:s8] =	ssyncadd.s32 $0xFFFFE000  }
0x43: {  	_ =	swait.ge [sflag:s8], $0x2000  }
0x44: {  	[sflag:s8] =	ssyncset.done $0x0  }
0x45: {  	[sflag:s8] =	ssyncadd.s32 $0xFFFFE000  }
0x46: {  	[tilespmem:s11], [sflag:$0x2] =	stream.indirect.gather [hbm4b:s3+s19], $0x40, s29, s19, $0xb8;
	[tilespmem:$0x8400] =	vst v63  }
0x47: {  	_ = 	snop  }
0x48: {  	[tilespmem:s12], [sflag:$0x2] =	stream.indirect.gather [hbm4b:s4+s19], $0x40, s29, s19, $0xb8;
	[tilespmem:$0x8400] =	vst v63  }
0x49: {  	_ =	swait.ge [sflag:s17], $0x2000  }
0x4a: {  	[sflag:s17] =	ssyncset.done $0x0  }
0x4b: {  	[sflag:s17] =	ssyncadd.s32 $0xFFFFE000  }
0x4c: {  	_ =	swait.ge [sflag:s17], $0x2000  }
0x4d: {  	[sflag:s17] =	ssyncset.done $0x0  }
0x4e: {  	s0 =	rddreg [dreg:$0x9];
	[sflag:s17] =	ssyncadd.s32 $0xFFFFE000  }
0x4f: {  	[hbm4b:s0+s2] =	stream.linear.scatter [tilespmem:s13], [sflag:$0x3], $0x2000, $0x38;
	[tilespmem:$0x8400] =	vst v63  }
0x50: {  	s1 =	rddreg [dreg:$0xa]  }
0x51: {  	[hbm4b:s1+s2] =	stream.linear.scatter [tilespmem:s14], [sflag:$0x3], $0x2000, $0x38;
	[tilespmem:$0x8400] =	vst v63  }
0x52: {  	_ =	swait.ge [sflag:s7], $0x2000  }
0x53: {  	[sflag:s7] =	ssyncset.done $0x0  }
0x54: {  	[sflag:s7] =	ssyncadd.s32 $0xFFFFE000  }
0x55: {  	_ =	swait.ge [sflag:s7], $0x2000  }
0x56: {  	[sflag:s7] =	ssyncset.done $0x0  }
0x57: {  	[sflag:s7] =	ssyncadd.s32 $0xFFFFE000  }
0x58: {  	[tilespmem:s13], [sflag:$0x1] =	stream.indirect.gather [hbm4b:s3+s19], $0x40, s28, s19, $0xb8;
	[tilespmem:$0x8400] =	vst v63  }
0x59: {  	_ = 	snop  }
0x5a: {  	[tilespmem:s14], [sflag:$0x1] =	stream.indirect.gather [hbm4b:s4+s19], $0x40, s28, s19, $0xb8;
	[tilespmem:$0x8400] =	vst v63  }
0x5b: {  	_ =	swait.ge [sflag:s15], $0x2000  }
0x5c: {  	[sflag:s15] =	ssyncset.done $0x0  }
0x5d: {  	[sflag:s15] =	ssyncadd.s32 $0xFFFFE000  }
0x5e: {  	_ =	swait.ge [sflag:s15], $0x2000  }
0x5f: {  	[sflag:s15] =	ssyncset.done $0x0  }
0x60: {  	[sflag:s15] =	ssyncadd.s32 $0xFFFFE000  }
0x61: {  	[hbm4b:s23+s2] =	stream.linear.scatter [tilespmem:s11], [sflag:$0x4], $0x2000, $0x38;
	[tilespmem:$0x8400] =	vst v63  }
0x62: {  	_ = 	snop  }
0x63: {  	[hbm4b:s24+s2] =	stream.linear.scatter [tilespmem:s12], [sflag:$0x4], $0x2000, $0x38;
	[tilespmem:$0x8400] =	vst v63  }
0x64: {  	_ =	swait.ge [sflag:s8], $0x2000  }
0x65: {  	[sflag:s8] =	ssyncset.done $0x0  }
0x66: {  	[sflag:s8] =	ssyncadd.s32 $0xFFFFE000  }
0x67: {  	_ =	swait.ge [sflag:s8], $0x2000  }
0x68: {  	[sflag:s8] =	ssyncset.done $0x0  }
0x69: {  	[sflag:s8] =	ssyncadd.s32 $0xFFFFE000  }
0x6a: {  	[tilespmem:s11], [sflag:$0x2] =	stream.indirect.gather [hbm4b:s3+s19], $0x40, s26, s19, $0xb8;
	[tilespmem:$0x8400] =	vst v63  }
0x6b: {  	_ = 	snop  }
0x6c: {  	[tilespmem:s12], [sflag:$0x2] =	stream.indirect.gather [hbm4b:s4+s19], $0x40, s26, s19, $0xb8;
	[tilespmem:$0x8400] =	vst v63  }
0x6d: {  	_ =	swait.ge [sflag:s17], $0x2000  }
0x6e: {  	[sflag:s17] =	ssyncset.done $0x0  }
0x6f: {  	[sflag:s17] =	ssyncadd.s32 $0xFFFFE000  }
0x70: {  	_ =	swait.ge [sflag:s17], $0x2000  }
0x71: {  	[sflag:s17] =	ssyncset.done $0x0  }
0x72: {  	[sflag:s17] =	ssyncadd.s32 $0xFFFFE000  }
0x73: {  	[hbm4b:s20+s2] =	stream.linear.scatter [tilespmem:s13], [sflag:$0x3], $0x2000, $0x38;
	[tilespmem:$0x8400] =	vst v63  }
0x74: {  	_ = 	snop  }
0x75: {  	[hbm4b:s21+s2] =	stream.linear.scatter [tilespmem:s14], [sflag:$0x3], $0x2000, $0x38;
	[tilespmem:$0x8400] =	vst v63  }
0x76: {  	_ =	swait.ge [sflag:s7], $0x2000  }
0x77: {  	[sflag:s7] =	ssyncset.done $0x0  }
0x78: {  	[sflag:s7] =	ssyncadd.s32 $0xFFFFE000  }
0x79: {  	_ =	swait.ge [sflag:s7], $0x2000  }
0x7a: {  	[sflag:s7] =	ssyncset.done $0x0  }
0x7b: {  	[sflag:s7] =	ssyncadd.s32 $0xFFFFE000  }
0x7c: {  	[tilespmem:s13], [sflag:$0x1] =	stream.indirect.gather [hbm4b:s3+s19], $0x40, s25, s19, $0xb8;
	[tilespmem:$0x8400] =	vst v63  }
0x7d: {  	_ = 	snop  }
0x7e: {  	[tilespmem:s14], [sflag:$0x1] =	stream.indirect.gather [hbm4b:s4+s19], $0x40, s25, s19, $0xb8;
	[tilespmem:$0x8400] =	vst v63  }
0x7f: {  	_ =	swait.ge [sflag:s15], $0x2000  }
0x80: {  	[sflag:s15] =	ssyncset.done $0x0  }
0x81: {  	[sflag:s15] =	ssyncadd.s32 $0xFFFFE000  }
0x82: {  	_ =	swait.ge [sflag:s15], $0x2000  }
0x83: {  	[sflag:s15] =	ssyncset.done $0x0  }
0x84: {  	[sflag:s15] =	ssyncadd.s32 $0xFFFFE000  }
0x85: {  	[hbm4b:s16+s2] =	stream.linear.scatter [tilespmem:s11], [sflag:$0x4], $0x2000, $0x38;
	[tilespmem:$0x8400] =	vst v63  }
0x86: {  	_ = 	snop  }
0x87: {  	[hbm4b:s18+s2] =	stream.linear.scatter [tilespmem:s12], [sflag:$0x4], $0x2000, $0x38;
	[tilespmem:$0x8400] =	vst v63  }
0x88: {  	_ =	swait.ge [sflag:s8], $0x2000  }
0x89: {  	[sflag:s8] =	ssyncset.done $0x0  }
0x8a: {  	[sflag:s8] =	ssyncadd.s32 $0xFFFFE000  }
0x8b: {  	_ =	swait.ge [sflag:s8], $0x2000  }
0x8c: {  	[sflag:s8] =	ssyncset.done $0x0  }
0x8d: {  	[sflag:s8] =	ssyncadd.s32 $0xFFFFE000  }
0x8e: {  	[tilespmem:s11], [sflag:$0x2] =	stream.indirect.gather [hbm4b:s3+s19], $0x40, s22, s19, $0xb8;
	[tilespmem:$0x8400] =	vst v63  }
0x8f: {  	_ = 	snop  }
0x90: {  	[tilespmem:s12], [sflag:$0x2] =	stream.indirect.gather [hbm4b:s4+s19], $0x40, s22, s19, $0xb8;
	[tilespmem:$0x8400] =	vst v63  }
0x91: {  	_ =	swait.ge [sflag:s17], $0x2000  }
0x92: {  	[sflag:s17] =	ssyncset.done $0x0  }
0x93: {  	[sflag:s17] =	ssyncadd.s32 $0xFFFFE000  }
0x94: {  	_ =	swait.ge [sflag:s17], $0x2000  }
0x95: {  	[sflag:s17] =	ssyncset.done $0x0  }
0x96: {  	[sflag:s17] =	ssyncadd.s32 $0xFFFFE000  }
0x97: {  	[hbm4b:s9+s2] =	stream.linear.scatter [tilespmem:s13], [sflag:$0x3], $0x2000, $0x38;
	[tilespmem:$0x8400] =	vst v63  }
0x98: {  	_ = 	snop  }
0x99: {  	[hbm4b:s10+s2] =	stream.linear.scatter [tilespmem:s14], [sflag:$0x3], $0x2000, $0x38;
	[tilespmem:$0x8400] =	vst v63  }
0x9a: {  	_ =	swait.ge [sflag:s15], $0x2000  }
0x9b: {  	[sflag:s15] =	ssyncset.done $0x0  }
0x9c: {  	[sflag:s15] =	ssyncadd.s32 $0xFFFFE000  }
0x9d: {  	_ =	swait.ge [sflag:s15], $0x2000  }
0x9e: {  	[sflag:s15] =	ssyncset.done $0x0  }
0x9f: {  	[sflag:s15] =	ssyncadd.s32 $0xFFFFE000  }
0xa0: {  	[hbm4b:s5+s2] =	stream.linear.scatter [tilespmem:s11], [sflag:$0x4], $0x2000, $0x38;
	[tilespmem:$0x8400] =	vst v63  }
0xa1: {  	_ = 	snop  }
0xa2: {  	[hbm4b:s6+s2] =	stream.linear.scatter [tilespmem:s12], [sflag:$0x4], $0x2000, $0x38;
	[tilespmem:$0x8400] =	vst v63  }
0xa3: {  	_ =	swait.ge [sflag:s7], $0x2000  }
0xa4: {  	[sflag:s7] =	ssyncset.done $0x0  }
0xa5: {  	[sflag:s7] =	ssyncadd.s32 $0xFFFFE000  }
0xa6: {  	_ =	swait.ge [sflag:s7], $0x2000  }
0xa7: {  	[sflag:s7] =	ssyncset.done $0x0  }
0xa8: {  	[sflag:s7] =	ssyncadd.s32 $0xFFFFE000  }
0xa9: {  	_ =	swait.ge [sflag:s8], $0x2000  }
0xaa: {  	s1 =	rddreg [dreg:$0xb]  }
0xab: {  	p1 =	sne.s32 s1, $0x1  }
.Ltmp1:
0xac: {  	_ = 	snop;
	(pc) =	sbr.rel @!p1 .LBB2_3-.Ltmp1, $4  }
0xad: {  	[sflag:s8] =	ssyncset.done $0x0  }
0xae: {  	[sflag:s8] =	ssyncadd.s32 $0xFFFFE000  }
0xaf: {  	p0 =	por $0x1, $0x1;
	_ =	swait.ge [sflag:s8], $0x2000  }
0xb0: {  	s1 =	sadd.s32 $0xFFFFFFFF, s1;
	s0 =	rddreg [dreg:$0x4];
	[sflag:s8] =	ssyncset.done $0x0  }
.LBB2_2:
0xb1: {  	[sflag:s8] =	ssyncadd.s32 $0xFFFFE000  }
0xb2: {  	[tilespmem:s2], [sflag:$0x5] =	stream.linear.gather [hbm4b:s0+s2], $0x400, $0x38;
	[tilespmem:$0x8400] =	vst v63  }
0xb3: {  	_ =	swait.ge [sflag:s31], $0x400  }
0xb4: {  	[sflag:s31] =	ssyncset.done $0x0  }
0xb5: {  	[sflag:s31] =	ssyncadd.s32 $0xFFFFFC00  }
0xb6: {  	[tilespmem:s13], [sflag:$0x1] =	stream.indirect.gather [hbm4b:s3+s19], $0x40, s2, s19, $0xb8;
	[tilespmem:$0x8400] =	vst v63  }
0xb7: {  	_ = 	snop  }
0xb8: {  	[tilespmem:s14], [sflag:$0x1] =	stream.indirect.gather [hbm4b:s4+s19], $0x40, s2, s19, $0xb8;
	[tilespmem:$0x8400] =	vst v63  }
0xb9: {  	_ = 	snop  }
0xba: {  	[tilespmem:s11], [sflag:$0x2] =	stream.indirect.gather [hbm4b:s3+s19], $0x40, s19, s19, $0xb8;
	[tilespmem:$0x8400] =	vst v63  }
0xbb: {  	_ = 	snop  }
0xbc: {  	[tilespmem:s12], [sflag:$0x2] =	stream.indirect.gather [hbm4b:s4+s19], $0x40, s19, s19, $0xb8;
	[tilespmem:$0x8400] =	vst v63  }
0xbd: {  	_ =	swait.ge [sflag:s17], $0x2000  }
0xbe: {  	[sflag:s17] =	ssyncset.done $0x0  }
0xbf: {  	s22 =	smov.u32 s21;
	[sflag:s17] =	ssyncadd.s32 $0xFFFFE000  }
0xc0: {  	s21 =	smov.u32 s20;
	s20 =	smov.u32 s18;
	_ =	swait.ge [sflag:s17], $0x2000  }
0xc1: {  	s18 =	smov.u32 s16;
	s16 =	smov.u32 s10;
	[sflag:s17] =	ssyncset.done $0x0  }
0xc2: {  	s10 =	smov.u32 s9;
	s0 =	rddreg [dreg:$0x5];
	[sflag:s17] =	ssyncadd.s32 $0xFFFFE000  }
0xc3: {  	[hbm4b:s0+s2] =	stream.linear.scatter [tilespmem:s13], [sflag:$0x3], $0x2000, $0x38;
	[tilespmem:$0x8400] =	vst v63  }
0xc4: {  	s9 =	smov.u32 s6;
	s6 =	smov.u32 s5;
	s5 =	rddreg [dreg:$0x6]  }
0xc5: {  	[hbm4b:s5+s2] =	stream.linear.scatter [tilespmem:s14], [sflag:$0x3], $0x2000, $0x38;
	[tilespmem:$0x8400] =	vst v63  }
0xc6: {  	_ =	swait.ge [sflag:s7], $0x2000  }
0xc7: {  	[sflag:s7] =	ssyncset.done $0x0  }
0xc8: {  	[sflag:s7] =	ssyncadd.s32 $0xFFFFE000  }
0xc9: {  	_ =	swait.ge [sflag:s7], $0x2000  }
0xca: {  	[sflag:s7] =	ssyncset.done $0x0  }
0xcb: {  	[sflag:s7] =	ssyncadd.s32 $0xFFFFE000  }
0xcc: {  	[tilespmem:s13], [sflag:$0x1] =	stream.indirect.gather [hbm4b:s3+s19], $0x40, s30, s19, $0xb8;
	[tilespmem:$0x8400] =	vst v63  }
0xcd: {  	_ = 	snop  }
0xce: {  	[tilespmem:s14], [sflag:$0x1] =	stream.indirect.gather [hbm4b:s4+s19], $0x40, s30, s19, $0xb8;
	[tilespmem:$0x8400] =	vst v63  }
0xcf: {  	_ =	swait.ge [sflag:s15], $0x2000  }
0xd0: {  	[sflag:s15] =	ssyncset.done $0x0  }
0xd1: {  	[sflag:s15] =	ssyncadd.s32 $0xFFFFE000  }
0xd2: {  	_ =	swait.ge [sflag:s15], $0x2000  }
0xd3: {  	[sflag:s15] =	ssyncset.done $0x0  }
0xd4: {  	s0 =	rddreg [dreg:$0x7];
	[sflag:s15] =	ssyncadd.s32 $0xFFFFE000  }
0xd5: {  	[hbm4b:s0+s2] =	stream.linear.scatter [tilespmem:s11], [sflag:$0x4], $0x2000, $0x38;
	[tilespmem:$0x8400] =	vst v63  }
0xd6: {  	s5 =	rddreg [dreg:$0x8]  }
0xd7: {  	[hbm4b:s5+s2] =	stream.linear.scatter [tilespmem:s12], [sflag:$0x4], $0x2000, $0x38;
	[tilespmem:$0x8400] =	vst v63  }
0xd8: {  	_ =	swait.ge [sflag:s8], $0x2000  }
0xd9: {  	[sflag:s8] =	ssyncset.done $0x0  }
0xda: {  	[sflag:s8] =	ssyncadd.s32 $0xFFFFE000  }
0xdb: {  	_ =	swait.ge [sflag:s8], $0x2000  }
0xdc: {  	[sflag:s8] =	ssyncset.done $0x0  }
0xdd: {  	[sflag:s8] =	ssyncadd.s32 $0xFFFFE000  }
0xde: {  	[tilespmem:s11], [sflag:$0x2] =	stream.indirect.gather [hbm4b:s3+s19], $0x40, s29, s19, $0xb8;
	[tilespmem:$0x8400] =	vst v63  }
0xdf: {  	_ = 	snop  }
0xe0: {  	[tilespmem:s12], [sflag:$0x2] =	stream.indirect.gather [hbm4b:s4+s19], $0x40, s29, s19, $0xb8;
	[tilespmem:$0x8400] =	vst v63  }
0xe1: {  	_ =	swait.ge [sflag:s17], $0x2000  }
0xe2: {  	[sflag:s17] =	ssyncset.done $0x0  }
0xe3: {  	[sflag:s17] =	ssyncadd.s32 $0xFFFFE000  }
0xe4: {  	_ =	swait.ge [sflag:s17], $0x2000  }
0xe5: {  	[sflag:s17] =	ssyncset.done $0x0  }
0xe6: {  	s0 =	rddreg [dreg:$0x9];
	[sflag:s17] =	ssyncadd.s32 $0xFFFFE000  }
0xe7: {  	[hbm4b:s0+s2] =	stream.linear.scatter [tilespmem:s13], [sflag:$0x3], $0x2000, $0x38;
	[tilespmem:$0x8400] =	vst v63  }
0xe8: {  	s5 =	rddreg [dreg:$0xa]  }
0xe9: {  	[hbm4b:s5+s2] =	stream.linear.scatter [tilespmem:s14], [sflag:$0x3], $0x2000, $0x38;
	[tilespmem:$0x8400] =	vst v63  }
0xea: {  	_ =	swait.ge [sflag:s7], $0x2000  }
0xeb: {  	[sflag:s7] =	ssyncset.done $0x0  }
0xec: {  	[sflag:s7] =	ssyncadd.s32 $0xFFFFE000  }
0xed: {  	_ =	swait.ge [sflag:s7], $0x2000  }
0xee: {  	[sflag:s7] =	ssyncset.done $0x0  }
0xef: {  	[sflag:s7] =	ssyncadd.s32 $0xFFFFE000  }
0xf0: {  	[tilespmem:s13], [sflag:$0x1] =	stream.indirect.gather [hbm4b:s3+s19], $0x40, s28, s19, $0xb8;
	[tilespmem:$0x8400] =	vst v63  }
0xf1: {  	_ = 	snop  }
0xf2: {  	[tilespmem:s14], [sflag:$0x1] =	stream.indirect.gather [hbm4b:s4+s19], $0x40, s28, s19, $0xb8;
	[tilespmem:$0x8400] =	vst v63  }
0xf3: {  	_ =	swait.ge [sflag:s15], $0x2000  }
0xf4: {  	[sflag:s15] =	ssyncset.done $0x0  }
0xf5: {  	[sflag:s15] =	ssyncadd.s32 $0xFFFFE000  }
0xf6: {  	_ =	swait.ge [sflag:s15], $0x2000  }
0xf7: {  	[sflag:s15] =	ssyncset.done $0x0  }
0xf8: {  	[sflag:s15] =	ssyncadd.s32 $0xFFFFE000  }
0xf9: {  	[hbm4b:s23+s2] =	stream.linear.scatter [tilespmem:s11], [sflag:$0x4], $0x2000, $0x38;
	[tilespmem:$0x8400] =	vst v63  }
0xfa: {  	_ = 	snop  }
0xfb: {  	[hbm4b:s24+s2] =	stream.linear.scatter [tilespmem:s12], [sflag:$0x4], $0x2000, $0x38;
	[tilespmem:$0x8400] =	vst v63  }
0xfc: {  	_ =	swait.ge [sflag:s8], $0x2000  }
0xfd: {  	[sflag:s8] =	ssyncset.done $0x0  }
0xfe: {  	[sflag:s8] =	ssyncadd.s32 $0xFFFFE000  }
0xff: {  	_ =	swait.ge [sflag:s8], $0x2000  }
0x100: {  	[sflag:s8] =	ssyncset.done $0x0  }
0x101: {  	[sflag:s8] =	ssyncadd.s32 $0xFFFFE000  }
0x102: {  	[tilespmem:s11], [sflag:$0x2] =	stream.indirect.gather [hbm4b:s3+s19], $0x40, s26, s19, $0xb8;
	[tilespmem:$0x8400] =	vst v63  }
0x103: {  	_ = 	snop  }
0x104: {  	[tilespmem:s12], [sflag:$0x2] =	stream.indirect.gather [hbm4b:s4+s19], $0x40, s26, s19, $0xb8;
	[tilespmem:$0x8400] =	vst v63  }
0x105: {  	_ =	swait.ge [sflag:s17], $0x2000  }
0x106: {  	[sflag:s17] =	ssyncset.done $0x0  }
0x107: {  	s5 =	smov.u32 s6;
	[sflag:s17] =	ssyncadd.s32 $0xFFFFE000  }
0x108: {  	s6 =	smov.u32 s9;
	s9 =	smov.u32 s10;
	_ =	swait.ge [sflag:s17], $0x2000  }
0x109: {  	s10 =	smov.u32 s16;
	s16 =	smov.u32 s18;
	[sflag:s17] =	ssyncset.done $0x0  }
0x10a: {  	s18 =	smov.u32 s20;
	s20 =	smov.u32 s21;
	[sflag:s17] =	ssyncadd.s32 $0xFFFFE000  }
0x10b: {  	[hbm4b:s20+s2] =	stream.linear.scatter [tilespmem:s13], [sflag:$0x3], $0x2000, $0x38;
	[tilespmem:$0x8400] =	vst v63  }
0x10c: {  	s21 =	smov.u32 s22  }
0x10d: {  	[hbm4b:s21+s2] =	stream.linear.scatter [tilespmem:s14], [sflag:$0x3], $0x2000, $0x38;
	[tilespmem:$0x8400] =	vst v63  }
0x10e: {  	_ =	swait.ge [sflag:s7], $0x2000  }
0x10f: {  	[sflag:s7] =	ssyncset.done $0x0  }
0x110: {  	[sflag:s7] =	ssyncadd.s32 $0xFFFFE000  }
0x111: {  	_ =	swait.ge [sflag:s7], $0x2000  }
0x112: {  	[sflag:s7] =	ssyncset.done $0x0  }
0x113: {  	[sflag:s7] =	ssyncadd.s32 $0xFFFFE000  }
0x114: {  	[tilespmem:s13], [sflag:$0x1] =	stream.indirect.gather [hbm4b:s3+s19], $0x40, s25, s19, $0xb8;
	[tilespmem:$0x8400] =	vst v63  }
0x115: {  	_ = 	snop  }
0x116: {  	[tilespmem:s14], [sflag:$0x1] =	stream.indirect.gather [hbm4b:s4+s19], $0x40, s25, s19, $0xb8;
	[tilespmem:$0x8400] =	vst v63  }
0x117: {  	_ =	swait.ge [sflag:s15], $0x2000  }
0x118: {  	[sflag:s15] =	ssyncset.done $0x0  }
0x119: {  	[sflag:s15] =	ssyncadd.s32 $0xFFFFE000  }
0x11a: {  	_ =	swait.ge [sflag:s15], $0x2000  }
0x11b: {  	[sflag:s15] =	ssyncset.done $0x0  }
0x11c: {  	[sflag:s15] =	ssyncadd.s32 $0xFFFFE000  }
0x11d: {  	[hbm4b:s16+s2] =	stream.linear.scatter [tilespmem:s11], [sflag:$0x4], $0x2000, $0x38;
	[tilespmem:$0x8400] =	vst v63  }
0x11e: {  	_ = 	snop  }
0x11f: {  	[hbm4b:s18+s2] =	stream.linear.scatter [tilespmem:s12], [sflag:$0x4], $0x2000, $0x38;
	[tilespmem:$0x8400] =	vst v63  }
0x120: {  	_ =	swait.ge [sflag:s8], $0x2000  }
0x121: {  	[sflag:s8] =	ssyncset.done $0x0  }
0x122: {  	[sflag:s8] =	ssyncadd.s32 $0xFFFFE000  }
0x123: {  	_ =	swait.ge [sflag:s8], $0x2000  }
0x124: {  	[sflag:s8] =	ssyncset.done $0x0  }
0x125: {  	s22 =	simm.s32 $0x380;
	[sflag:s8] =	ssyncadd.s32 $0xFFFFE000  }
0x126: {  	[tilespmem:s11], [sflag:$0x2] =	stream.indirect.gather [hbm4b:s3+s19], $0x40, s22, s19, $0xb8;
	[tilespmem:$0x8400] =	vst v63  }
0x127: {  	_ = 	snop  }
0x128: {  	[tilespmem:s12], [sflag:$0x2] =	stream.indirect.gather [hbm4b:s4+s19], $0x40, s22, s19, $0xb8;
	[tilespmem:$0x8400] =	vst v63  }
0x129: {  	_ =	swait.ge [sflag:s17], $0x2000  }
0x12a: {  	[sflag:s17] =	ssyncset.done $0x0  }
0x12b: {  	[sflag:s17] =	ssyncadd.s32 $0xFFFFE000  }
0x12c: {  	_ =	swait.ge [sflag:s17], $0x2000  }
0x12d: {  	[sflag:s17] =	ssyncset.done $0x0  }
0x12e: {  	[sflag:s17] =	ssyncadd.s32 $0xFFFFE000  }
0x12f: {  	[hbm4b:s9+s2] =	stream.linear.scatter [tilespmem:s13], [sflag:$0x3], $0x2000, $0x38;
	[tilespmem:$0x8400] =	vst v63  }
0x130: {  	_ = 	snop  }
0x131: {  	[hbm4b:s10+s2] =	stream.linear.scatter [tilespmem:s14], [sflag:$0x3], $0x2000, $0x38;
	[tilespmem:$0x8400] =	vst v63  }
0x132: {  	_ =	swait.ge [sflag:s15], $0x2000  }
0x133: {  	[sflag:s15] =	ssyncset.done $0x0  }
0x134: {  	[sflag:s15] =	ssyncadd.s32 $0xFFFFE000  }
0x135: {  	_ =	swait.ge [sflag:s15], $0x2000  }
0x136: {  	[sflag:s15] =	ssyncset.done $0x0  }
0x137: {  	[sflag:s15] =	ssyncadd.s32 $0xFFFFE000  }
0x138: {  	[hbm4b:s5+s2] =	stream.linear.scatter [tilespmem:s11], [sflag:$0x4], $0x2000, $0x38;
	[tilespmem:$0x8400] =	vst v63  }
0x139: {  	_ = 	snop  }
0x13a: {  	[hbm4b:s6+s2] =	stream.linear.scatter [tilespmem:s12], [sflag:$0x4], $0x2000, $0x38;
	[tilespmem:$0x8400] =	vst v63  }
0x13b: {  	_ =	swait.ge [sflag:s7], $0x2000  }
0x13c: {  	[sflag:s7] =	ssyncset.done $0x0  }
0x13d: {  	[sflag:s7] =	ssyncadd.s32 $0xFFFFE000  }
0x13e: {  	_ =	swait.ge [sflag:s7], $0x2000  }
0x13f: {  	[sflag:s7] =	ssyncset.done $0x0  }
0x140: {  	p1 =	sne.s32 s1, $0x1;
	[sflag:s7] =	ssyncadd.s32 $0xFFFFE000  }
.Ltmp2:
0x141: {  	_ =	swait.ge [sflag:s8], $0x2000;
	(pc) =	sbr.rel @p1 .LBB2_2-.Ltmp2, $4  }
0x142: {  	[sflag:s8] =	ssyncset.done $0x0  }
0x143: {  	[sflag:s8] =	ssyncadd.s32 $0xFFFFE000  }
0x144: {  	_ =	swait.ge [sflag:s8], $0x2000  }
0x145: {  	s1 =	sadd.s32 $0xFFFFFFFF, s1;
	s0 =	rddreg [dreg:$0x4];
	[sflag:s8] =	ssyncset.done $0x0  }
.LBB2_3:
0x146: {  	[sflag:s8] =	ssyncadd.s32 @p0 $0xFFFFE000  }
0x147: {  	[tilespmem:s2], [sflag:$0x5] =	stream.linear.gather [hbm4b:s0+s2], $0x400, $0x38;
	[tilespmem:$0x8400] =	vst v63  }
0x148: {  	_ =	swait.ge [sflag:s31], $0x400  }
0x149: {  	[sflag:s31] =	ssyncset.done $0x0  }
0x14a: {  	[sflag:s31] =	ssyncadd.s32 $0xFFFFFC00  }
0x14b: {  	[tilespmem:s13], [sflag:$0x1] =	stream.indirect.gather [hbm4b:s3+s19], $0x40, s2, s19, $0xb8;
	[tilespmem:$0x8400] =	vst v63  }
0x14c: {  	_ = 	snop  }
0x14d: {  	[tilespmem:s14], [sflag:$0x1] =	stream.indirect.gather [hbm4b:s4+s19], $0x40, s2, s19, $0xb8;
	[tilespmem:$0x8400] =	vst v63  }
0x14e: {  	_ = 	snop  }
0x14f: {  	[tilespmem:s11], [sflag:$0x2] =	stream.indirect.gather [hbm4b:s3+s19], $0x40, s19, s19, $0xb8;
	[tilespmem:$0x8400] =	vst v63  }
0x150: {  	_ = 	snop  }
0x151: {  	[tilespmem:s12], [sflag:$0x2] =	stream.indirect.gather [hbm4b:s4+s19], $0x40, s19, s19, $0xb8;
	[tilespmem:$0x8400] =	vst v63  }
0x152: {  	_ =	swait.ge [sflag:s17], $0x2000  }
0x153: {  	[sflag:s17] =	ssyncset.done $0x0  }
0x154: {  	[sflag:s17] =	ssyncadd.s32 $0xFFFFE000  }
0x155: {  	_ =	swait.ge [sflag:s17], $0x2000  }
0x156: {  	[sflag:s17] =	ssyncset.done $0x0  }
0x157: {  	s31 =	rddreg [dreg:$0x5];
	[sflag:s17] =	ssyncadd.s32 $0xFFFFE000  }
0x158: {  	[hbm4b:s31+s2] =	stream.linear.scatter [tilespmem:s13], [sflag:$0x3], $0x2000, $0x38;
	[tilespmem:$0x8400] =	vst v63  }
0x159: {  	s1 =	rddreg [dreg:$0x6]  }
0x15a: {  	[hbm4b:s1+s2] =	stream.linear.scatter [tilespmem:s14], [sflag:$0x3], $0x2000, $0x38;
	[tilespmem:$0x8400] =	vst v63  }
0x15b: {  	_ =	swait.ge [sflag:s7], $0x2000  }
0x15c: {  	[sflag:s7] =	ssyncset.done $0x0  }
0x15d: {  	[sflag:s7] =	ssyncadd.s32 $0xFFFFE000  }
0x15e: {  	_ =	swait.ge [sflag:s7], $0x2000  }
0x15f: {  	[sflag:s7] =	ssyncset.done $0x0  }
0x160: {  	[sflag:s7] =	ssyncadd.s32 $0xFFFFE000  }
0x161: {  	[tilespmem:s13], [sflag:$0x1] =	stream.indirect.gather [hbm4b:s3+s19], $0x40, s30, s19, $0xb8;
	[tilespmem:$0x8400] =	vst v63  }
0x162: {  	_ = 	snop  }
0x163: {  	[tilespmem:s14], [sflag:$0x1] =	stream.indirect.gather [hbm4b:s4+s19], $0x40, s30, s19, $0xb8;
	[tilespmem:$0x8400] =	vst v63  }
0x164: {  	_ =	swait.ge [sflag:s15], $0x2000  }
0x165: {  	[sflag:s15] =	ssyncset.done $0x0  }
0x166: {  	[sflag:s15] =	ssyncadd.s32 $0xFFFFE000  }
0x167: {  	_ =	swait.ge [sflag:s15], $0x2000  }
0x168: {  	[sflag:s15] =	ssyncset.done $0x0  }
0x169: {  	s30 =	rddreg [dreg:$0x7];
	[sflag:s15] =	ssyncadd.s32 $0xFFFFE000  }
0x16a: {  	[hbm4b:s30+s2] =	stream.linear.scatter [tilespmem:s11], [sflag:$0x4], $0x2000, $0x38;
	[tilespmem:$0x8400] =	vst v63  }
0x16b: {  	s31 =	rddreg [dreg:$0x8]  }
0x16c: {  	[hbm4b:s31+s2] =	stream.linear.scatter [tilespmem:s12], [sflag:$0x4], $0x2000, $0x38;
	[tilespmem:$0x8400] =	vst v63  }
0x16d: {  	_ =	swait.ge [sflag:s8], $0x2000  }
0x16e: {  	[sflag:s8] =	ssyncset.done $0x0  }
0x16f: {  	[sflag:s8] =	ssyncadd.s32 $0xFFFFE000  }
0x170: {  	_ =	swait.ge [sflag:s8], $0x2000  }
0x171: {  	[sflag:s8] =	ssyncset.done $0x0  }
0x172: {  	[sflag:s8] =	ssyncadd.s32 $0xFFFFE000  }
0x173: {  	[tilespmem:s11], [sflag:$0x2] =	stream.indirect.gather [hbm4b:s3+s19], $0x40, s29, s19, $0xb8;
	[tilespmem:$0x8400] =	vst v63  }
0x174: {  	_ = 	snop  }
0x175: {  	[tilespmem:s12], [sflag:$0x2] =	stream.indirect.gather [hbm4b:s4+s19], $0x40, s29, s19, $0xb8;
	[tilespmem:$0x8400] =	vst v63  }
0x176: {  	_ =	swait.ge [sflag:s17], $0x2000  }
0x177: {  	[sflag:s17] =	ssyncset.done $0x0  }
0x178: {  	[sflag:s17] =	ssyncadd.s32 $0xFFFFE000  }
0x179: {  	_ =	swait.ge [sflag:s17], $0x2000  }
0x17a: {  	[sflag:s17] =	ssyncset.done $0x0  }
0x17b: {  	s29 =	rddreg [dreg:$0x9];
	[sflag:s17] =	ssyncadd.s32 $0xFFFFE000  }
0x17c: {  	[hbm4b:s29+s2] =	stream.linear.scatter [tilespmem:s13], [sflag:$0x3], $0x2000, $0x38;
	[tilespmem:$0x8400] =	vst v63  }
0x17d: {  	s30 =	rddreg [dreg:$0xa]  }
0x17e: {  	[hbm4b:s30+s2] =	stream.linear.scatter [tilespmem:s14], [sflag:$0x3], $0x2000, $0x38;
	[tilespmem:$0x8400] =	vst v63  }
0x17f: {  	_ =	swait.ge [sflag:s7], $0x2000  }
0x180: {  	[sflag:s7] =	ssyncset.done $0x0  }
0x181: {  	[sflag:s7] =	ssyncadd.s32 $0xFFFFE000  }
0x182: {  	_ =	swait.ge [sflag:s7], $0x2000  }
0x183: {  	[sflag:s7] =	ssyncset.done $0x0  }
0x184: {  	[sflag:s7] =	ssyncadd.s32 $0xFFFFE000  }
0x185: {  	[tilespmem:s13], [sflag:$0x1] =	stream.indirect.gather [hbm4b:s3+s19], $0x40, s28, s19, $0xb8;
	[tilespmem:$0x8400] =	vst v63  }
0x186: {  	_ = 	snop  }
0x187: {  	[tilespmem:s14], [sflag:$0x1] =	stream.indirect.gather [hbm4b:s4+s19], $0x40, s28, s19, $0xb8;
	[tilespmem:$0x8400] =	vst v63  }
0x188: {  	_ =	swait.ge [sflag:s15], $0x2000  }
0x189: {  	[sflag:s15] =	ssyncset.done $0x0  }
0x18a: {  	[sflag:s15] =	ssyncadd.s32 $0xFFFFE000  }
0x18b: {  	_ =	swait.ge [sflag:s15], $0x2000  }
0x18c: {  	[sflag:s15] =	ssyncset.done $0x0  }
0x18d: {  	[sflag:s15] =	ssyncadd.s32 $0xFFFFE000  }
0x18e: {  	[hbm4b:s23+s2] =	stream.linear.scatter [tilespmem:s11], [sflag:$0x4], $0x2000, $0x38;
	[tilespmem:$0x8400] =	vst v63  }
0x18f: {  	_ = 	snop  }
0x190: {  	[hbm4b:s24+s2] =	stream.linear.scatter [tilespmem:s12], [sflag:$0x4], $0x2000, $0x38;
	[tilespmem:$0x8400] =	vst v63  }
0x191: {  	_ =	swait.ge [sflag:s8], $0x2000  }
0x192: {  	[sflag:s8] =	ssyncset.done $0x0  }
0x193: {  	[sflag:s8] =	ssyncadd.s32 $0xFFFFE000  }
0x194: {  	_ =	swait.ge [sflag:s8], $0x2000  }
0x195: {  	[sflag:s8] =	ssyncset.done $0x0  }
0x196: {  	[sflag:s8] =	ssyncadd.s32 $0xFFFFE000  }
0x197: {  	[tilespmem:s11], [sflag:$0x2] =	stream.indirect.gather [hbm4b:s3+s19], $0x40, s26, s19, $0xb8;
	[tilespmem:$0x8400] =	vst v63  }
0x198: {  	_ = 	snop  }
0x199: {  	[tilespmem:s12], [sflag:$0x2] =	stream.indirect.gather [hbm4b:s4+s19], $0x40, s26, s19, $0xb8;
	[tilespmem:$0x8400] =	vst v63  }
0x19a: {  	_ =	swait.ge [sflag:s17], $0x2000  }
0x19b: {  	[sflag:s17] =	ssyncset.done $0x0  }
0x19c: {  	[sflag:s17] =	ssyncadd.s32 $0xFFFFE000  }
0x19d: {  	_ =	swait.ge [sflag:s17], $0x2000  }
0x19e: {  	[sflag:s17] =	ssyncset.done $0x0  }
0x19f: {  	[sflag:s17] =	ssyncadd.s32 $0xFFFFE000  }
0x1a0: {  	[hbm4b:s20+s2] =	stream.linear.scatter [tilespmem:s13], [sflag:$0x3], $0x2000, $0x38;
	[tilespmem:$0x8400] =	vst v63  }
0x1a1: {  	_ = 	snop  }
0x1a2: {  	[hbm4b:s21+s2] =	stream.linear.scatter [tilespmem:s14], [sflag:$0x3], $0x2000, $0x38;
	[tilespmem:$0x8400] =	vst v63  }
0x1a3: {  	_ =	swait.ge [sflag:s7], $0x2000  }
0x1a4: {  	[sflag:s7] =	ssyncset.done $0x0  }
0x1a5: {  	[sflag:s7] =	ssyncadd.s32 $0xFFFFE000  }
0x1a6: {  	_ =	swait.ge [sflag:s7], $0x2000  }
0x1a7: {  	[sflag:s7] =	ssyncset.done $0x0  }
0x1a8: {  	[sflag:s7] =	ssyncadd.s32 $0xFFFFE000  }
0x1a9: {  	[tilespmem:s13], [sflag:$0x1] =	stream.indirect.gather [hbm4b:s3+s19], $0x40, s25, s19, $0xb8;
	[tilespmem:$0x8400] =	vst v63  }
0x1aa: {  	_ = 	snop  }
0x1ab: {  	[tilespmem:s14], [sflag:$0x1] =	stream.indirect.gather [hbm4b:s4+s19], $0x40, s25, s19, $0xb8;
	[tilespmem:$0x8400] =	vst v63  }
0x1ac: {  	_ =	swait.ge [sflag:s15], $0x2000  }
0x1ad: {  	[sflag:s15] =	ssyncset.done $0x0  }
0x1ae: {  	[sflag:s15] =	ssyncadd.s32 $0xFFFFE000  }
0x1af: {  	_ =	swait.ge [sflag:s15], $0x2000  }
0x1b0: {  	[sflag:s15] =	ssyncset.done $0x0  }
0x1b1: {  	[sflag:s15] =	ssyncadd.s32 $0xFFFFE000  }
0x1b2: {  	[hbm4b:s16+s2] =	stream.linear.scatter [tilespmem:s11], [sflag:$0x4], $0x2000, $0x38;
	[tilespmem:$0x8400] =	vst v63  }
0x1b3: {  	_ = 	snop  }
0x1b4: {  	[hbm4b:s18+s2] =	stream.linear.scatter [tilespmem:s12], [sflag:$0x4], $0x2000, $0x38;
	[tilespmem:$0x8400] =	vst v63  }
0x1b5: {  	_ =	swait.ge [sflag:s8], $0x2000  }
0x1b6: {  	[sflag:s8] =	ssyncset.done $0x0  }
0x1b7: {  	[sflag:s8] =	ssyncadd.s32 $0xFFFFE000  }
0x1b8: {  	_ =	swait.ge [sflag:s8], $0x2000  }
0x1b9: {  	[sflag:s8] =	ssyncset.done $0x0  }
0x1ba: {  	[sflag:s8] =	ssyncadd.s32 $0xFFFFE000  }
0x1bb: {  	[tilespmem:s11], [sflag:$0x2] =	stream.indirect.gather [hbm4b:s3+s19], $0x40, s22, s19, $0xb8;
	[tilespmem:$0x8400] =	vst v63  }
0x1bc: {  	_ = 	snop  }
0x1bd: {  	[tilespmem:s12], [sflag:$0x2] =	stream.indirect.gather [hbm4b:s4+s19], $0x40, s22, s19, $0xb8;
	[tilespmem:$0x8400] =	vst v63  }
0x1be: {  	_ =	swait.ge [sflag:s17], $0x2000  }
0x1bf: {  	[sflag:s17] =	ssyncset.done $0x0  }
0x1c0: {  	[sflag:s17] =	ssyncadd.s32 $0xFFFFE000  }
0x1c1: {  	_ =	swait.ge [sflag:s17], $0x2000  }
0x1c2: {  	[sflag:s17] =	ssyncset.done $0x0  }
0x1c3: {  	[sflag:s17] =	ssyncadd.s32 $0xFFFFE000  }
0x1c4: {  	[hbm4b:s9+s2] =	stream.linear.scatter [tilespmem:s13], [sflag:$0x3], $0x2000, $0x38;
	[tilespmem:$0x8400] =	vst v63  }
0x1c5: {  	_ = 	snop  }
0x1c6: {  	[hbm4b:s10+s2] =	stream.linear.scatter [tilespmem:s14], [sflag:$0x3], $0x2000, $0x38;
	[tilespmem:$0x8400] =	vst v63  }
0x1c7: {  	_ =	swait.ge [sflag:s15], $0x2000  }
0x1c8: {  	[sflag:s15] =	ssyncset.done $0x0  }
0x1c9: {  	[sflag:s15] =	ssyncadd.s32 $0xFFFFE000  }
0x1ca: {  	_ =	swait.ge [sflag:s15], $0x2000  }
0x1cb: {  	[sflag:s15] =	ssyncset.done $0x0  }
0x1cc: {  	[sflag:s15] =	ssyncadd.s32 $0xFFFFE000  }
0x1cd: {  	[hbm4b:s5+s2] =	stream.linear.scatter [tilespmem:s11], [sflag:$0x4], $0x2000, $0x38;
	[tilespmem:$0x8400] =	vst v63  }
0x1ce: {  	_ = 	snop  }
0x1cf: {  	[hbm4b:s6+s2] =	stream.linear.scatter [tilespmem:s12], [sflag:$0x4], $0x2000, $0x38;
	[tilespmem:$0x8400] =	vst v63  }
0x1d0: {  	_ =	swait.ge [sflag:s7], $0x2000  }
0x1d1: {  	[sflag:s7] =	ssyncset.done $0x0  }
0x1d2: {  	[sflag:s7] =	ssyncadd.s32 $0xFFFFE000  }
0x1d3: {  	_ =	swait.ge [sflag:s7], $0x2000  }
0x1d4: {  	[sflag:s7] =	ssyncset.done $0x0  }
0x1d5: {  	[sflag:s7] =	ssyncadd.s32 $0xFFFFE000  }
0x1d6: {  	_ =	swait.ge [sflag:s8], $0x2000  }
0x1d7: {  	[sflag:s8] =	ssyncset.done $0x0  }
0x1d8: {  	[sflag:s8] =	ssyncadd.s32 $0xFFFFE000  }
0x1d9: {  	_ =	swait.ge [sflag:s8], $0x2000  }
0x1da: {  	[sflag:s8] =	ssyncset.done $0x0  }
0x1db: {  	[sflag:s8] =	ssyncadd.s32 $0xFFFFE000  }
0x1dc: {  	_ =	sfence.sel $0x180000  }
0x1dd: {  	[bflag:$0x0] =	sbarrier.arrive $0xFFFF  }
0x1de: {  	_ =	strace $0x90000047  }
0x1df: {  	s31 =	stileid.u32;
	[bflag:$0x2] =	sbarrier.arrive $0xFFFF  }
0x1e0: {  	p0 =	sne.s32 s31, $0x0;
	s0 =	rddreg [dreg:$0x3]  }
0x1e1: {  	s0 =	sadd.s32 @!p0 $0x100000, s0  }
0x1e2: {  	[sflag:s0] =	ssyncadd.tile.s32 @!p0 $0x1;
	_ =	shalt  }
.Lfunc_end2:
_tile_overlayer_lowered:
.L_overlay_start_2:
0x1e3: {  	(tag) =	ssettag $0x2  }
0x1e4: {  	s0 =	rddreg [dreg:$0x0];
	s2 =	stileid.u32  }
0x1e5: {  	s1 =	rddreg [dreg:$0x1];
	p0 =	sne.s32 s2, $0x0  }
0x1e6: {  	s3 =	rddreg [dreg:$0x2];
	[bflag:$0x3] =	sbarrier.arrive $0xFFFF;
	s2 =	simm.s32 @!p0 $0x1C05  }
0x1e7: {  	[timem:s3], [sflag:s2] =	dma.local @!p0 [hbm:s0], s1  }
0x1e8: {  	s0 =	simm.s32 @!p0 $0x5  }
0x1e9: {  	_ =	swait.ge @!p0 [sflag:s0], s1  }
0x1ea: {  	s1 =	ssub.s32 @!p0 $0x0, s1;
	[sflag:s0] =	ssyncset.done @!p0 $0x0  }
0x1eb: {  	[sflag:s0] =	ssyncadd.s32 @!p0 s1  }
0x1ec: {  	[bflag:$0x3] =	sbarrier.arrive $0xFFFF  }
0x1ed: {  	_ =	shalt  }

</sc_bundles>
